<compile_context>
chip_gen: v7x
topology: tpu7x:2x2x1
jax: 0.10.2.dev20260603
libtpu: 0.0.44.dev20260713+nightly
codegen_flags: <defaults>
</compile_context>

<pallas_src>
import functools

import jax
import jax.numpy as jnp
from jax import lax
from jax.experimental import pallas as pl
from jax.experimental.pallas import tpu as pltpu
from jax.experimental.pallas import tpu_sc as plsc

BATCH = 16384
EMB = 128
EPS = 1e-5

NC = 2
NS = 16
NW = NC * NS
CH = 128

CHUNKS = (8192, 8192)
BB = 4096


def _make_gather_body(cs, off):
    rpw = cs // NW
    nch = rpw // CH

    def body(uid_hbm, cid_hbm, utab_hbm, ctab_hbm, ue_hbm, ce_hbm,
             idx_v, rows_a, rows_b, sem_a, sem_b):
        wid = lax.axis_index("s") * NC + lax.axis_index("c")
        base = wid * rpw
        for tab_hbm, ids_hbm, out_hbm in ((utab_hbm, uid_hbm, ue_hbm),
                                          (ctab_hbm, cid_hbm, ce_hbm)):
            for j in range(nch):
                pltpu.sync_copy(
                    ids_hbm.at[pl.ds(off + base + j * CH, CH)],
                    idx_v.at[j])
            pltpu.async_copy(tab_hbm.at[idx_v.at[0]], rows_a, sem_a)
            for j in range(nch):
                cur, nxt = (rows_a, rows_b) if j % 2 == 0 else (rows_b, rows_a)
                cur_s, nxt_s = (sem_a, sem_b) if j % 2 == 0 else (sem_b, sem_a)
                if j + 1 < nch:
                    pltpu.async_copy(tab_hbm.at[idx_v.at[j + 1]], nxt, nxt_s)
                pltpu.make_async_copy(tab_hbm.at[idx_v.at[j]], cur, cur_s).wait()
                pltpu.sync_copy(cur, out_hbm.at[pl.ds(base + j * CH, CH)])

    return body


@functools.cache
def _gather(cs, off):
    nch = cs // NW // CH
    return pl.kernel(
        _make_gather_body(cs, off),
        out_type=(jax.ShapeDtypeStruct((cs, EMB), jnp.float32),
                  jax.ShapeDtypeStruct((cs, EMB), jnp.float32)),
        mesh=plsc.VectorSubcoreMesh(core_axis_name="c", subcore_axis_name="s",
                                    num_cores=NC, num_subcores=NS),
        scratch_types=(pltpu.VMEM((nch, CH), jnp.int32),
                       pltpu.VMEM((CH, EMB), jnp.float32),
                       pltpu.VMEM((CH, EMB), jnp.float32),
                       pltpu.SemaphoreType.DMA,
                       pltpu.SemaphoreType.DMA),
    )


_DN_T = (((1,), (1,)), ((), ()))


def _mlp_body(ue, ce, w0, w1, w2, p0, p1, p2, out):
    bf = jnp.bfloat16
    w0v = w0[...].astype(bf)
    p0v, p1v, p2v = p0[...], p1[...], p2[...]
    z0 = (lax.dot_general(ue[...].astype(bf), w0v[:, :EMB], _DN_T,
                          preferred_element_type=jnp.float32)
          + lax.dot_general(ce[...].astype(bf), w0v[:, EMB:], _DN_T,
                            preferred_element_type=jnp.float32)
          + p0v[0:1])
    y0 = jnp.maximum(z0, 0.0) * p0v[1:2] + p0v[2:3]
    z1 = lax.dot_general(y0.astype(bf), w1[...].astype(bf), _DN_T,
                         preferred_element_type=jnp.float32) + p1v[0:1]
    y1 = jnp.maximum(z1, 0.0) * p1v[1:2] + p1v[2:3]
    z2 = lax.dot_general(y1.astype(bf), w2[...].astype(bf), _DN_T,
                         preferred_element_type=jnp.float32) + p2v[0:1]
    y2 = jnp.maximum(z2, 0.0) * p2v[1:2] + p2v[2:3]
    z3 = lax.dot_general(p2v[3:4].astype(bf), y2.astype(bf), _DN_T,
                         preferred_element_type=jnp.float32) + p2v[4, 0]
    out[...] = (1.0 / (1.0 + jnp.exp(-z3))).reshape(1, 1, -1)


def _full(shape):
    return pl.BlockSpec(shape, lambda i: (0,) * len(shape))


@functools.cache
def _mlp(cs):
    return pl.pallas_call(
        _mlp_body,
        grid=(cs // BB,),
        in_specs=[
            pl.BlockSpec((BB, EMB), lambda i: (i, 0)),
            pl.BlockSpec((BB, EMB), lambda i: (i, 0)),
            _full((256, 256)), _full((128, 256)), _full((64, 128)),
            _full((3, 256)), _full((3, 128)), _full((5, 64)),
        ],
        out_specs=pl.BlockSpec((1, 1, BB), lambda i: (i, 0, 0)),
        out_shape=jax.ShapeDtypeStruct((cs // BB, 1, BB), jnp.float32),
        compiler_params=pltpu.CompilerParams(
            dimension_semantics=("arbitrary",)),
    )


def kernel(user_ids, content_ids, user_table, content_table,
           W0, b0, g0, beta0, rm0, rv0,
           W1, b1, g1, beta1, rm1, rv1,
           W2, b2, g2, beta2, rm2, rv2,
           W3, b3):
    uid = user_ids.astype(jnp.int32)
    cid = content_ids.astype(jnp.int32)
    s0 = g0 * lax.rsqrt(rv0 + EPS)
    s1 = g1 * lax.rsqrt(rv1 + EPS)
    s2 = g2 * lax.rsqrt(rv2 + EPS)
    p0 = jnp.stack([b0, s0, beta0 - rm0 * s0])
    p1 = jnp.stack([b1, s1, beta1 - rm1 * s1])
    p2 = jnp.stack([b2, s2, beta2 - rm2 * s2, W3[0],
                    jnp.broadcast_to(b3, (64,))])
    mlp_args = (W0, W1, W2, p0, p1, p2)
    scores = []
    off = 0
    for cs in CHUNKS:
        ue, ce = _gather(cs, off)(uid, cid, user_table, content_table)
        scores.append(_mlp(cs)(ue, ce, *mlp_args).reshape(cs))
        off += cs
    out = jnp.concatenate(scores) if len(CHUNKS) > 1 else scores[0]
    return out

# --- scband reference (transcript-rebuilt; emitter-appended) ---
"""Pipeline reference for scband-neural-collaborative-filter-33328946217354 (READ-ONLY COPY).

The authoritative reference and input builder live on the scoring server;
editing this copy changes nothing except your own understanding.
"""

import jax, jax.numpy as jnp
import numpy as np

NUM_USERS = 1000000
NUM_CONTENT = 100000
EMB = 128
BATCH = 16384
HID = [256, 128, 64]
EPS = 1e-5


def setup_inputs(seed: int = 0) -> dict:
    key = jax.random.key(seed)
    ks = jax.random.split(key, 24)
    inp = {}
    inp['user_ids'] = jax.random.randint(ks[0], (BATCH,), 0, NUM_USERS)
    inp['content_ids'] = jax.random.randint(ks[1], (BATCH,), 0, NUM_CONTENT)
    inp['user_table'] = 0.01 * jax.random.normal(ks[2], (NUM_USERS, EMB), dtype=jnp.float32)
    inp['content_table'] = 0.01 * jax.random.normal(ks[3], (NUM_CONTENT, EMB), dtype=jnp.float32)
    in_dim = EMB * 2
    ki = 4
    for i, h in enumerate(HID):
        inp[f'W{i}'] = jax.random.normal(ks[ki], (h, in_dim), dtype=jnp.float32) * (1.0 / np.sqrt(in_dim)); ki += 1
        inp[f'b{i}'] = jnp.zeros((h,), dtype=jnp.float32)
        inp[f'g{i}'] = jnp.ones((h,), dtype=jnp.float32)
        inp[f'beta{i}'] = jnp.zeros((h,), dtype=jnp.float32)
        inp[f'rm{i}'] = jnp.zeros((h,), dtype=jnp.float32)
        inp[f'rv{i}'] = jnp.ones((h,), dtype=jnp.float32)
        in_dim = h
    inp['W3'] = jax.random.normal(ks[ki], (1, in_dim), dtype=jnp.float32) * (1.0 / np.sqrt(in_dim))
    inp['b3'] = jnp.zeros((1,), dtype=jnp.float32)
    return inp


def reference(user_ids, content_ids, user_table, content_table,
              W0, b0, g0, beta0, rm0, rv0,
              W1, b1, g1, beta1, rm1, rv1,
              W2, b2, g2, beta2, rm2, rv2,
              W3, b3):
    ue = jnp.take(user_table, user_ids, axis=0)
    ce = jnp.take(content_table, content_ids, axis=0)
    x = jnp.concatenate([ue, ce], axis=-1)
    params = [(W0, b0, g0, beta0, rm0, rv0), (W1, b1, g1, beta1, rm1, rv1), (W2, b2, g2, beta2, rm2, rv2)]
    for (W, b, g, beta, rm, rv) in params:
        x = x @ W.T + b
        x = jax.nn.relu(x)
        # Dropout(0.2) is identity in eval mode
        x = (x - rm) / jnp.sqrt(rv + EPS) * g + beta  # BatchNorm1d eval mode
    score = jax.nn.sigmoid(x @ W3.T + b3)
    return jnp.squeeze(score)

if __name__ == "__main__":
    import jax
    _d = setup_inputs()
    print(jax.jit(kernel)(*tuple(_d.values())))

</pallas_src>

<mosaic_0001>
#map = affine_map<(d0, d1) -> (0)>
#map1 = affine_map<(d0, d1) -> (0, 0)>
module attributes {stable_mosaic.version = 14 : i64} {
  func.func @body(%arg0: i32, %arg1: i32, %arg2: memref<16384xi32, #tpu.memory_space<hbm>>, %arg3: memref<16384xi32, #tpu.memory_space<hbm>>, %arg4: memref<1000000x128xf32, #tpu.memory_space<hbm>>, %arg5: memref<100000x128xf32, #tpu.memory_space<hbm>>, %arg6: memref<8192x128xf32, #tpu.memory_space<hbm>>, %arg7: memref<8192x128xf32, #tpu.memory_space<hbm>>, %arg8: memref<2x128xi32, #tpu.memory_space<vmem>>, %arg9: memref<128x128xf32, #tpu.memory_space<vmem>>, %arg10: memref<128x128xf32, #tpu.memory_space<vmem>>, %arg11: memref<!tpu.dma_semaphore, #tpu.memory_space<semaphore_mem>>, %arg12: memref<!tpu.dma_semaphore, #tpu.memory_space<semaphore_mem>>) attributes {dimension_semantics = [#tpu.dimension_semantics<core_parallel>, #tpu.dimension_semantics<subcore_parallel>], iteration_bounds = array<i64: 2, 16>, scalar_prefetch = 0 : i64, scratch_operands = 5 : i64, tpu.core_type = #tpu.core_type<sc_vector_subcore>, window_params = [{transform_indices = #map}, {transform_indices = #map}, {transform_indices = #map1}, {transform_indices = #map1}, {transform_indices = #map1}, {transform_indices = #map1}]} {
    %mul3A = arith.constant 2 : i32
    %mul3A_0 = arith.muli %arg1, %mul3A : i32
    %add3A = arith.addi %mul3A_0, %arg0 : i32
    %mul3A_1 = arith.constant 256 : i32
    %mul3A_2 = arith.muli %add3A, %mul3A_1 : i32
    %add3A_3 = arith.constant 0 : i32
    %add3A_4 = arith.addi %add3A_3, %mul3A_2 : i32
    %add3A_5 = arith.constant 0 : i32
    %add3A_6 = arith.addi %add3A_4, %add3A_5 : i32
    %run_scoped3A = arith.constant 0 : i32
    "tpu.region"() ({
      %run_scoped3A_84 = tpu.sem_alloc : memref<!tpu.dma_semaphore, #tpu.memory_space<semaphore_mem>>
      %dma_start3A_85 = arith.constant 0 : i32
      %dma_start3A_86 = tpu.memref_slice %arg8[%run_scoped3A, %dma_start3A_85] : memref<2x128xi32, #tpu.memory_space<vmem>> -> memref<1x128xi32, #tpu.memory_space<vmem>>
      %dma_start3A_87 = tpu.memref_squeeze %dma_start3A_86 : memref<1x128xi32, #tpu.memory_space<vmem>> -> memref<128xi32, #tpu.memory_space<vmem>>
      %dma_start3A_88 = tpu.memref_slice %arg2[%add3A_6] : memref<16384xi32, #tpu.memory_space<hbm>> -> memref<128xi32, #tpu.memory_space<hbm>>
      %dma_start3A_89 = arith.constant 0 : i32
      %dma_start3A_90 = tpu.memref_slice %arg8[%run_scoped3A, %dma_start3A_89] : memref<2x128xi32, #tpu.memory_space<vmem>> -> memref<1x128xi32, #tpu.memory_space<vmem>>
      %dma_start3A_91 = tpu.memref_squeeze %dma_start3A_90 : memref<1x128xi32, #tpu.memory_space<vmem>> -> memref<128xi32, #tpu.memory_space<vmem>>
      %dma_start3A_92 = tpu.memref_slice %arg2[%add3A_6] : memref<16384xi32, #tpu.memory_space<hbm>> -> memref<128xi32, #tpu.memory_space<hbm>>
      tpu.enqueue_dma source(%dma_start3A_92 : memref<128xi32, #tpu.memory_space<hbm>>) target(%dma_start3A_91 : memref<128xi32, #tpu.memory_space<vmem>>) target_semaphore(%run_scoped3A_84 : memref<!tpu.dma_semaphore, #tpu.memory_space<semaphore_mem>>)
      %dma_wait3A_93 = arith.constant 0 : i32
      %dma_wait3A_94 = tpu.memref_slice %arg8[%run_scoped3A, %dma_wait3A_93] : memref<2x128xi32, #tpu.memory_space<vmem>> -> memref<1x128xi32, #tpu.memory_space<vmem>>
      %dma_wait3A_95 = tpu.memref_squeeze %dma_wait3A_94 : memref<1x128xi32, #tpu.memory_space<vmem>> -> memref<128xi32, #tpu.memory_space<vmem>>
      %dma_wait3A_96 = tpu.memref_slice %arg2[%add3A_6] : memref<16384xi32, #tpu.memory_space<hbm>> -> memref<128xi32, #tpu.memory_space<hbm>>
      %dma_wait3A_97 = arith.constant 0 : i32
      %dma_wait3A_98 = tpu.memref_slice %arg8[%run_scoped3A, %dma_wait3A_97] : memref<2x128xi32, #tpu.memory_space<vmem>> -> memref<1x128xi32, #tpu.memory_space<vmem>>
      %dma_wait3A_99 = tpu.memref_squeeze %dma_wait3A_98 : memref<1x128xi32, #tpu.memory_space<vmem>> -> memref<128xi32, #tpu.memory_space<vmem>>
      %dma_wait3A_100 = tpu.memref_slice %arg2[%add3A_6] : memref<16384xi32, #tpu.memory_space<hbm>> -> memref<128xi32, #tpu.memory_space<hbm>>
      tpu.wait_dma2 semaphore(%run_scoped3A_84 : memref<!tpu.dma_semaphore, #tpu.memory_space<semaphore_mem>>) src(%dma_wait3A_100 : memref<128xi32, #tpu.memory_space<hbm>>) dst(%dma_wait3A_99 : memref<128xi32, #tpu.memory_space<vmem>>)
      tpu.yield
    }) : () -> ()
    %add3A_7 = arith.constant 0 : i32
    %add3A_8 = arith.addi %add3A_7, %mul3A_2 : i32
    %add3A_9 = arith.constant 128 : i32
    %add3A_10 = arith.addi %add3A_8, %add3A_9 : i32
    %run_scoped3A_11 = arith.constant 1 : i32
    "tpu.region"() ({
      %run_scoped3A_84 = tpu.sem_alloc : memref<!tpu.dma_semaphore, #tpu.memory_space<semaphore_mem>>
      %dma_start3A_85 = arith.constant 0 : i32
      %dma_start3A_86 = tpu.memref_slice %arg8[%run_scoped3A_11, %dma_start3A_85] : memref<2x128xi32, #tpu.memory_space<vmem>> -> memref<1x128xi32, #tpu.memory_space<vmem>>
      %dma_start3A_87 = tpu.memref_squeeze %dma_start3A_86 : memref<1x128xi32, #tpu.memory_space<vmem>> -> memref<128xi32, #tpu.memory_space<vmem>>
      %dma_start3A_88 = tpu.memref_slice %arg2[%add3A_10] : memref<16384xi32, #tpu.memory_space<hbm>> -> memref<128xi32, #tpu.memory_space<hbm>>
      %dma_start3A_89 = arith.constant 0 : i32
      %dma_start3A_90 = tpu.memref_slice %arg8[%run_scoped3A_11, %dma_start3A_89] : memref<2x128xi32, #tpu.memory_space<vmem>> -> memref<1x128xi32, #tpu.memory_space<vmem>>
      %dma_start3A_91 = tpu.memref_squeeze %dma_start3A_90 : memref<1x128xi32, #tpu.memory_space<vmem>> -> memref<128xi32, #tpu.memory_space<vmem>>
      %dma_start3A_92 = tpu.memref_slice %arg2[%add3A_10] : memref<16384xi32, #tpu.memory_space<hbm>> -> memref<128xi32, #tpu.memory_space<hbm>>
      tpu.enqueue_dma source(%dma_start3A_92 : memref<128xi32, #tpu.memory_space<hbm>>) target(%dma_start3A_91 : memref<128xi32, #tpu.memory_space<vmem>>) target_semaphore(%run_scoped3A_84 : memref<!tpu.dma_semaphore, #tpu.memory_space<semaphore_mem>>)
      %dma_wait3A_93 = arith.constant 0 : i32
      %dma_wait3A_94 = tpu.memref_slice %arg8[%run_scoped3A_11, %dma_wait3A_93] : memref<2x128xi32, #tpu.memory_space<vmem>> -> memref<1x128xi32, #tpu.memory_space<vmem>>
      %dma_wait3A_95 = tpu.memref_squeeze %dma_wait3A_94 : memref<1x128xi32, #tpu.memory_space<vmem>> -> memref<128xi32, #tpu.memory_space<vmem>>
      %dma_wait3A_96 = tpu.memref_slice %arg2[%add3A_10] : memref<16384xi32, #tpu.memory_space<hbm>> -> memref<128xi32, #tpu.memory_space<hbm>>
      %dma_wait3A_97 = arith.constant 0 : i32
      %dma_wait3A_98 = tpu.memref_slice %arg8[%run_scoped3A_11, %dma_wait3A_97] : memref<2x128xi32, #tpu.memory_space<vmem>> -> memref<1x128xi32, #tpu.memory_space<vmem>>
      %dma_wait3A_99 = tpu.memref_squeeze %dma_wait3A_98 : memref<1x128xi32, #tpu.memory_space<vmem>> -> memref<128xi32, #tpu.memory_space<vmem>>
      %dma_wait3A_100 = tpu.memref_slice %arg2[%add3A_10] : memref<16384xi32, #tpu.memory_space<hbm>> -> memref<128xi32, #tpu.memory_space<hbm>>
      tpu.wait_dma2 semaphore(%run_scoped3A_84 : memref<!tpu.dma_semaphore, #tpu.memory_space<semaphore_mem>>) src(%dma_wait3A_100 : memref<128xi32, #tpu.memory_space<hbm>>) dst(%dma_wait3A_99 : memref<128xi32, #tpu.memory_space<vmem>>)
      tpu.yield
    }) : () -> ()
    %dma_start3A = arith.constant 0 : i32
    %dma_start3A_12 = arith.constant 0 : i32
    %dma_start3A_13 = tpu.memref_slice %arg8[%dma_start3A, %dma_start3A_12] : memref<2x128xi32, #tpu.memory_space<vmem>> -> memref<1x128xi32, #tpu.memory_space<vmem>>
    %dma_start3A_14 = tpu.memref_squeeze %dma_start3A_13 : memref<1x128xi32, #tpu.memory_space<vmem>> -> memref<128xi32, #tpu.memory_space<vmem>>
    %dma_start3A_15 = arith.constant 0 : i32
    %dma_start3A_16 = arith.constant 0 : i32
    %dma_start3A_17 = tpu.memref_slice %arg4[%dma_start3A_15, %dma_start3A_16] : memref<1000000x128xf32, #tpu.memory_space<hbm>> -> memref<1000000x128xf32, #tpu.memory_space<hbm>>
    tpu.enqueue_indirect_dma source(%dma_start3A_17 : memref<1000000x128xf32, #tpu.memory_space<hbm>>) target(%arg9 : memref<128x128xf32, #tpu.memory_space<vmem>>) offsets(%dma_start3A_14 : memref<128xi32, #tpu.memory_space<vmem>>) semaphore(%arg11 : memref<!tpu.dma_semaphore, #tpu.memory_space<semaphore_mem>>)
    %dma_start3A_18 = arith.constant 1 : i32
    %dma_start3A_19 = arith.constant 0 : i32
    %dma_start3A_20 = tpu.memref_slice %arg8[%dma_start3A_18, %dma_start3A_19] : memref<2x128xi32, #tpu.memory_space<vmem>> -> memref<1x128xi32, #tpu.memory_space<vmem>>
    %dma_start3A_21 = tpu.memref_squeeze %dma_start3A_20 : memref<1x128xi32, #tpu.memory_space<vmem>> -> memref<128xi32, #tpu.memory_space<vmem>>
    %dma_start3A_22 = arith.constant 0 : i32
    %dma_start3A_23 = arith.constant 0 : i32
    %dma_start3A_24 = tpu.memref_slice %arg4[%dma_start3A_22, %dma_start3A_23] : memref<1000000x128xf32, #tpu.memory_space<hbm>> -> memref<1000000x128xf32, #tpu.memory_space<hbm>>
    tpu.enqueue_indirect_dma source(%dma_start3A_24 : memref<1000000x128xf32, #tpu.memory_space<hbm>>) target(%arg10 : memref<128x128xf32, #tpu.memory_space<vmem>>) offsets(%dma_start3A_21 : memref<128xi32, #tpu.memory_space<vmem>>) semaphore(%arg12 : memref<!tpu.dma_semaphore, #tpu.memory_space<semaphore_mem>>)
    %dma_wait3A = arith.constant 0 : i32
    %dma_wait3A_25 = arith.constant 0 : i32
    %dma_wait3A_26 = tpu.memref_slice %arg8[%dma_wait3A, %dma_wait3A_25] : memref<2x128xi32, #tpu.memory_space<vmem>> -> memref<1x128xi32, #tpu.memory_space<vmem>>
    %dma_wait3A_27 = tpu.memref_squeeze %dma_wait3A_26 : memref<1x128xi32, #tpu.memory_space<vmem>> -> memref<128xi32, #tpu.memory_space<vmem>>
    %dma_wait3A_28 = arith.constant 0 : i32
    %dma_wait3A_29 = arith.constant 0 : i32
    %dma_wait3A_30 = tpu.memref_slice %arg4[%dma_wait3A_28, %dma_wait3A_29] : memref<1000000x128xf32, #tpu.memory_space<hbm>> -> memref<1000000x128xf32, #tpu.memory_space<hbm>>
    tpu.wait_indirect_dma semaphore(%arg11 : memref<!tpu.dma_semaphore, #tpu.memory_space<semaphore_mem>>) src(%dma_wait3A_30 : memref<1000000x128xf32, #tpu.memory_space<hbm>>) dst(%arg9 : memref<128x128xf32, #tpu.memory_space<vmem>>)
    %add3A_31 = arith.constant 0 : i32
    %add3A_32 = arith.addi %mul3A_2, %add3A_31 : i32
    "tpu.region"() ({
      %run_scoped3A_84 = tpu.sem_alloc : memref<!tpu.dma_semaphore, #tpu.memory_space<semaphore_mem>>
      %dma_start3A_85 = arith.constant 0 : i32
      %dma_start3A_86 = tpu.memref_slice %arg6[%add3A_32, %dma_start3A_85] : memref<8192x128xf32, #tpu.memory_space<hbm>> -> memref<128x128xf32, #tpu.memory_space<hbm>>
      %dma_start3A_87 = arith.constant 0 : i32
      %dma_start3A_88 = tpu.memref_slice %arg6[%add3A_32, %dma_start3A_87] : memref<8192x128xf32, #tpu.memory_space<hbm>> -> memref<128x128xf32, #tpu.memory_space<hbm>>
      tpu.enqueue_dma source(%arg9 : memref<128x128xf32, #tpu.memory_space<vmem>>) target(%dma_start3A_88 : memref<128x128xf32, #tpu.memory_space<hbm>>) target_semaphore(%run_scoped3A_84 : memref<!tpu.dma_semaphore, #tpu.memory_space<semaphore_mem>>)
      %dma_wait3A_89 = arith.constant 0 : i32
      %dma_wait3A_90 = tpu.memref_slice %arg6[%add3A_32, %dma_wait3A_89] : memref<8192x128xf32, #tpu.memory_space<hbm>> -> memref<128x128xf32, #tpu.memory_space<hbm>>
      %dma_wait3A_91 = arith.constant 0 : i32
      %dma_wait3A_92 = tpu.memref_slice %arg6[%add3A_32, %dma_wait3A_91] : memref<8192x128xf32, #tpu.memory_space<hbm>> -> memref<128x128xf32, #tpu.memory_space<hbm>>
      tpu.wait_dma2 semaphore(%run_scoped3A_84 : memref<!tpu.dma_semaphore, #tpu.memory_space<semaphore_mem>>) src(%arg9 : memref<128x128xf32, #tpu.memory_space<vmem>>) dst(%dma_wait3A_92 : memref<128x128xf32, #tpu.memory_space<hbm>>)
      tpu.yield
    }) : () -> ()
    %dma_wait3A_33 = arith.constant 1 : i32
    %dma_wait3A_34 = arith.constant 0 : i32
    %dma_wait3A_35 = tpu.memref_slice %arg8[%dma_wait3A_33, %dma_wait3A_34] : memref<2x128xi32, #tpu.memory_space<vmem>> -> memref<1x128xi32, #tpu.memory_space<vmem>>
    %dma_wait3A_36 = tpu.memref_squeeze %dma_wait3A_35 : memref<1x128xi32, #tpu.memory_space<vmem>> -> memref<128xi32, #tpu.memory_space<vmem>>
    %dma_wait3A_37 = arith.constant 0 : i32
    %dma_wait3A_38 = arith.constant 0 : i32
    %dma_wait3A_39 = tpu.memref_slice %arg4[%dma_wait3A_37, %dma_wait3A_38] : memref<1000000x128xf32, #tpu.memory_space<hbm>> -> memref<1000000x128xf32, #tpu.memory_space<hbm>>
    tpu.wait_indirect_dma semaphore(%arg12 : memref<!tpu.dma_semaphore, #tpu.memory_space<semaphore_mem>>) src(%dma_wait3A_39 : memref<1000000x128xf32, #tpu.memory_space<hbm>>) dst(%arg10 : memref<128x128xf32, #tpu.memory_space<vmem>>)
    %add3A_40 = arith.constant 128 : i32
    %add3A_41 = arith.addi %mul3A_2, %add3A_40 : i32
    "tpu.region"() ({
      %run_scoped3A_84 = tpu.sem_alloc : memref<!tpu.dma_semaphore, #tpu.memory_space<semaphore_mem>>
      %dma_start3A_85 = arith.constant 0 : i32
      %dma_start3A_86 = tpu.memref_slice %arg6[%add3A_41, %dma_start3A_85] : memref<8192x128xf32, #tpu.memory_space<hbm>> -> memref<128x128xf32, #tpu.memory_space<hbm>>
      %dma_start3A_87 = arith.constant 0 : i32
      %dma_start3A_88 = tpu.memref_slice %arg6[%add3A_41, %dma_start3A_87] : memref<8192x128xf32, #tpu.memory_space<hbm>> -> memref<128x128xf32, #tpu.memory_space<hbm>>
      tpu.enqueue_dma source(%arg10 : memref<128x128xf32, #tpu.memory_space<vmem>>) target(%dma_start3A_88 : memref<128x128xf32, #tpu.memory_space<hbm>>) target_semaphore(%run_scoped3A_84 : memref<!tpu.dma_semaphore, #tpu.memory_space<semaphore_mem>>)
      %dma_wait3A_89 = arith.constant 0 : i32
      %dma_wait3A_90 = tpu.memref_slice %arg6[%add3A_41, %dma_wait3A_89] : memref<8192x128xf32, #tpu.memory_space<hbm>> -> memref<128x128xf32, #tpu.memory_space<hbm>>
      %dma_wait3A_91 = arith.constant 0 : i32
      %dma_wait3A_92 = tpu.memref_slice %arg6[%add3A_41, %dma_wait3A_91] : memref<8192x128xf32, #tpu.memory_space<hbm>> -> memref<128x128xf32, #tpu.memory_space<hbm>>
      tpu.wait_dma2 semaphore(%run_scoped3A_84 : memref<!tpu.dma_semaphore, #tpu.memory_space<semaphore_mem>>) src(%arg10 : memref<128x128xf32, #tpu.memory_space<vmem>>) dst(%dma_wait3A_92 : memref<128x128xf32, #tpu.memory_space<hbm>>)
      tpu.yield
    }) : () -> ()
    %add3A_42 = arith.constant 0 : i32
    %add3A_43 = arith.addi %add3A_42, %mul3A_2 : i32
    %add3A_44 = arith.constant 0 : i32
    %add3A_45 = arith.addi %add3A_43, %add3A_44 : i32
    %run_scoped3A_46 = arith.constant 0 : i32
    "tpu.region"() ({
      %run_scoped3A_84 = tpu.sem_alloc : memref<!tpu.dma_semaphore, #tpu.memory_space<semaphore_mem>>
      %dma_start3A_85 = arith.constant 0 : i32
      %dma_start3A_86 = tpu.memref_slice %arg8[%run_scoped3A_46, %dma_start3A_85] : memref<2x128xi32, #tpu.memory_space<vmem>> -> memref<1x128xi32, #tpu.memory_space<vmem>>
      %dma_start3A_87 = tpu.memref_squeeze %dma_start3A_86 : memref<1x128xi32, #tpu.memory_space<vmem>> -> memref<128xi32, #tpu.memory_space<vmem>>
      %dma_start3A_88 = tpu.memref_slice %arg3[%add3A_45] : memref<16384xi32, #tpu.memory_space<hbm>> -> memref<128xi32, #tpu.memory_space<hbm>>
      %dma_start3A_89 = arith.constant 0 : i32
      %dma_start3A_90 = tpu.memref_slice %arg8[%run_scoped3A_46, %dma_start3A_89] : memref<2x128xi32, #tpu.memory_space<vmem>> -> memref<1x128xi32, #tpu.memory_space<vmem>>
      %dma_start3A_91 = tpu.memref_squeeze %dma_start3A_90 : memref<1x128xi32, #tpu.memory_space<vmem>> -> memref<128xi32, #tpu.memory_space<vmem>>
      %dma_start3A_92 = tpu.memref_slice %arg3[%add3A_45] : memref<16384xi32, #tpu.memory_space<hbm>> -> memref<128xi32, #tpu.memory_space<hbm>>
      tpu.enqueue_dma source(%dma_start3A_92 : memref<128xi32, #tpu.memory_space<hbm>>) target(%dma_start3A_91 : memref<128xi32, #tpu.memory_space<vmem>>) target_semaphore(%run_scoped3A_84 : memref<!tpu.dma_semaphore, #tpu.memory_space<semaphore_mem>>)
      %dma_wait3A_93 = arith.constant 0 : i32
      %dma_wait3A_94 = tpu.memref_slice %arg8[%run_scoped3A_46, %dma_wait3A_93] : memref<2x128xi32, #tpu.memory_space<vmem>> -> memref<1x128xi32, #tpu.memory_space<vmem>>
      %dma_wait3A_95 = tpu.memref_squeeze %dma_wait3A_94 : memref<1x128xi32, #tpu.memory_space<vmem>> -> memref<128xi32, #tpu.memory_space<vmem>>
      %dma_wait3A_96 = tpu.memref_slice %arg3[%add3A_45] : memref<16384xi32, #tpu.memory_space<hbm>> -> memref<128xi32, #tpu.memory_space<hbm>>
      %dma_wait3A_97 = arith.constant 0 : i32
      %dma_wait3A_98 = tpu.memref_slice %arg8[%run_scoped3A_46, %dma_wait3A_97] : memref<2x128xi32, #tpu.memory_space<vmem>> -> memref<1x128xi32, #tpu.memory_space<vmem>>
      %dma_wait3A_99 = tpu.memref_squeeze %dma_wait3A_98 : memref<1x128xi32, #tpu.memory_space<vmem>> -> memref<128xi32, #tpu.memory_space<vmem>>
      %dma_wait3A_100 = tpu.memref_slice %arg3[%add3A_45] : memref<16384xi32, #tpu.memory_space<hbm>> -> memref<128xi32, #tpu.memory_space<hbm>>
      tpu.wait_dma2 semaphore(%run_scoped3A_84 : memref<!tpu.dma_semaphore, #tpu.memory_space<semaphore_mem>>) src(%dma_wait3A_100 : memref<128xi32, #tpu.memory_space<hbm>>) dst(%dma_wait3A_99 : memref<128xi32, #tpu.memory_space<vmem>>)
      tpu.yield
    }) : () -> ()
    %add3A_47 = arith.constant 0 : i32
    %add3A_48 = arith.addi %add3A_47, %mul3A_2 : i32
    %add3A_49 = arith.constant 128 : i32
    %add3A_50 = arith.addi %add3A_48, %add3A_49 : i32
    %run_scoped3A_51 = arith.constant 1 : i32
    "tpu.region"() ({
      %run_scoped3A_84 = tpu.sem_alloc : memref<!tpu.dma_semaphore, #tpu.memory_space<semaphore_mem>>
      %dma_start3A_85 = arith.constant 0 : i32
      %dma_start3A_86 = tpu.memref_slice %arg8[%run_scoped3A_51, %dma_start3A_85] : memref<2x128xi32, #tpu.memory_space<vmem>> -> memref<1x128xi32, #tpu.memory_space<vmem>>
      %dma_start3A_87 = tpu.memref_squeeze %dma_start3A_86 : memref<1x128xi32, #tpu.memory_space<vmem>> -> memref<128xi32, #tpu.memory_space<vmem>>
      %dma_start3A_88 = tpu.memref_slice %arg3[%add3A_50] : memref<16384xi32, #tpu.memory_space<hbm>> -> memref<128xi32, #tpu.memory_space<hbm>>
      %dma_start3A_89 = arith.constant 0 : i32
      %dma_start3A_90 = tpu.memref_slice %arg8[%run_scoped3A_51, %dma_start3A_89] : memref<2x128xi32, #tpu.memory_space<vmem>> -> memref<1x128xi32, #tpu.memory_space<vmem>>
      %dma_start3A_91 = tpu.memref_squeeze %dma_start3A_90 : memref<1x128xi32, #tpu.memory_space<vmem>> -> memref<128xi32, #tpu.memory_space<vmem>>
      %dma_start3A_92 = tpu.memref_slice %arg3[%add3A_50] : memref<16384xi32, #tpu.memory_space<hbm>> -> memref<128xi32, #tpu.memory_space<hbm>>
      tpu.enqueue_dma source(%dma_start3A_92 : memref<128xi32, #tpu.memory_space<hbm>>) target(%dma_start3A_91 : memref<128xi32, #tpu.memory_space<vmem>>) target_semaphore(%run_scoped3A_84 : memref<!tpu.dma_semaphore, #tpu.memory_space<semaphore_mem>>)
      %dma_wait3A_93 = arith.constant 0 : i32
      %dma_wait3A_94 = tpu.memref_slice %arg8[%run_scoped3A_51, %dma_wait3A_93] : memref<2x128xi32, #tpu.memory_space<vmem>> -> memref<1x128xi32, #tpu.memory_space<vmem>>
      %dma_wait3A_95 = tpu.memref_squeeze %dma_wait3A_94 : memref<1x128xi32, #tpu.memory_space<vmem>> -> memref<128xi32, #tpu.memory_space<vmem>>
      %dma_wait3A_96 = tpu.memref_slice %arg3[%add3A_50] : memref<16384xi32, #tpu.memory_space<hbm>> -> memref<128xi32, #tpu.memory_space<hbm>>
      %dma_wait3A_97 = arith.constant 0 : i32
      %dma_wait3A_98 = tpu.memref_slice %arg8[%run_scoped3A_51, %dma_wait3A_97] : memref<2x128xi32, #tpu.memory_space<vmem>> -> memref<1x128xi32, #tpu.memory_space<vmem>>
      %dma_wait3A_99 = tpu.memref_squeeze %dma_wait3A_98 : memref<1x128xi32, #tpu.memory_space<vmem>> -> memref<128xi32, #tpu.memory_space<vmem>>
      %dma_wait3A_100 = tpu.memref_slice %arg3[%add3A_50] : memref<16384xi32, #tpu.memory_space<hbm>> -> memref<128xi32, #tpu.memory_space<hbm>>
      tpu.wait_dma2 semaphore(%run_scoped3A_84 : memref<!tpu.dma_semaphore, #tpu.memory_space<semaphore_mem>>) src(%dma_wait3A_100 : memref<128xi32, #tpu.memory_space<hbm>>) dst(%dma_wait3A_99 : memref<128xi32, #tpu.memory_space<vmem>>)
      tpu.yield
    }) : () -> ()
    %dma_start3A_52 = arith.constant 0 : i32
    %dma_start3A_53 = arith.constant 0 : i32
    %dma_start3A_54 = tpu.memref_slice %arg8[%dma_start3A_52, %dma_start3A_53] : memref<2x128xi32, #tpu.memory_space<vmem>> -> memref<1x128xi32, #tpu.memory_space<vmem>>
    %dma_start3A_55 = tpu.memref_squeeze %dma_start3A_54 : memref<1x128xi32, #tpu.memory_space<vmem>> -> memref<128xi32, #tpu.memory_space<vmem>>
    %dma_start3A_56 = arith.constant 0 : i32
    %dma_start3A_57 = arith.constant 0 : i32
    %dma_start3A_58 = tpu.memref_slice %arg5[%dma_start3A_56, %dma_start3A_57] : memref<100000x128xf32, #tpu.memory_space<hbm>> -> memref<100000x128xf32, #tpu.memory_space<hbm>>
    tpu.enqueue_indirect_dma source(%dma_start3A_58 : memref<100000x128xf32, #tpu.memory_space<hbm>>) target(%arg9 : memref<128x128xf32, #tpu.memory_space<vmem>>) offsets(%dma_start3A_55 : memref<128xi32, #tpu.memory_space<vmem>>) semaphore(%arg11 : memref<!tpu.dma_semaphore, #tpu.memory_space<semaphore_mem>>)
    %dma_start3A_59 = arith.constant 1 : i32
    %dma_start3A_60 = arith.constant 0 : i32
    %dma_start3A_61 = tpu.memref_slice %arg8[%dma_start3A_59, %dma_start3A_60] : memref<2x128xi32, #tpu.memory_space<vmem>> -> memref<1x128xi32, #tpu.memory_space<vmem>>
    %dma_start3A_62 = tpu.memref_squeeze %dma_start3A_61 : memref<1x128xi32, #tpu.memory_space<vmem>> -> memref<128xi32, #tpu.memory_space<vmem>>
    %dma_start3A_63 = arith.constant 0 : i32
    %dma_start3A_64 = arith.constant 0 : i32
    %dma_start3A_65 = tpu.memref_slice %arg5[%dma_start3A_63, %dma_start3A_64] : memref<100000x128xf32, #tpu.memory_space<hbm>> -> memref<100000x128xf32, #tpu.memory_space<hbm>>
    tpu.enqueue_indirect_dma source(%dma_start3A_65 : memref<100000x128xf32, #tpu.memory_space<hbm>>) target(%arg10 : memref<128x128xf32, #tpu.memory_space<vmem>>) offsets(%dma_start3A_62 : memref<128xi32, #tpu.memory_space<vmem>>) semaphore(%arg12 : memref<!tpu.dma_semaphore, #tpu.memory_space<semaphore_mem>>)
    %dma_wait3A_66 = arith.constant 0 : i32
    %dma_wait3A_67 = arith.constant 0 : i32
    %dma_wait3A_68 = tpu.memref_slice %arg8[%dma_wait3A_66, %dma_wait3A_67] : memref<2x128xi32, #tpu.memory_space<vmem>> -> memref<1x128xi32, #tpu.memory_space<vmem>>
    %dma_wait3A_69 = tpu.memref_squeeze %dma_wait3A_68 : memref<1x128xi32, #tpu.memory_space<vmem>> -> memref<128xi32, #tpu.memory_space<vmem>>
    %dma_wait3A_70 = arith.constant 0 : i32
    %dma_wait3A_71 = arith.constant 0 : i32
    %dma_wait3A_72 = tpu.memref_slice %arg5[%dma_wait3A_70, %dma_wait3A_71] : memref<100000x128xf32, #tpu.memory_space<hbm>> -> memref<100000x128xf32, #tpu.memory_space<hbm>>
    tpu.wait_indirect_dma semaphore(%arg11 : memref<!tpu.dma_semaphore, #tpu.memory_space<semaphore_mem>>) src(%dma_wait3A_72 : memref<100000x128xf32, #tpu.memory_space<hbm>>) dst(%arg9 : memref<128x128xf32, #tpu.memory_space<vmem>>)
    %add3A_73 = arith.constant 0 : i32
    %add3A_74 = arith.addi %mul3A_2, %add3A_73 : i32
    "tpu.region"() ({
      %run_scoped3A_84 = tpu.sem_alloc : memref<!tpu.dma_semaphore, #tpu.memory_space<semaphore_mem>>
      %dma_start3A_85 = arith.constant 0 : i32
      %dma_start3A_86 = tpu.memref_slice %arg7[%add3A_74, %dma_start3A_85] : memref<8192x128xf32, #tpu.memory_space<hbm>> -> memref<128x128xf32, #tpu.memory_space<hbm>>
      %dma_start3A_87 = arith.constant 0 : i32
      %dma_start3A_88 = tpu.memref_slice %arg7[%add3A_74, %dma_start3A_87] : memref<8192x128xf32, #tpu.memory_space<hbm>> -> memref<128x128xf32, #tpu.memory_space<hbm>>
      tpu.enqueue_dma source(%arg9 : memref<128x128xf32, #tpu.memory_space<vmem>>) target(%dma_start3A_88 : memref<128x128xf32, #tpu.memory_space<hbm>>) target_semaphore(%run_scoped3A_84 : memref<!tpu.dma_semaphore, #tpu.memory_space<semaphore_mem>>)
      %dma_wait3A_89 = arith.constant 0 : i32
      %dma_wait3A_90 = tpu.memref_slice %arg7[%add3A_74, %dma_wait3A_89] : memref<8192x128xf32, #tpu.memory_space<hbm>> -> memref<128x128xf32, #tpu.memory_space<hbm>>
      %dma_wait3A_91 = arith.constant 0 : i32
      %dma_wait3A_92 = tpu.memref_slice %arg7[%add3A_74, %dma_wait3A_91] : memref<8192x128xf32, #tpu.memory_space<hbm>> -> memref<128x128xf32, #tpu.memory_space<hbm>>
      tpu.wait_dma2 semaphore(%run_scoped3A_84 : memref<!tpu.dma_semaphore, #tpu.memory_space<semaphore_mem>>) src(%arg9 : memref<128x128xf32, #tpu.memory_space<vmem>>) dst(%dma_wait3A_92 : memref<128x128xf32, #tpu.memory_space<hbm>>)
      tpu.yield
    }) : () -> ()
    %dma_wait3A_75 = arith.constant 1 : i32
    %dma_wait3A_76 = arith.constant 0 : i32
    %dma_wait3A_77 = tpu.memref_slice %arg8[%dma_wait3A_75, %dma_wait3A_76] : memref<2x128xi32, #tpu.memory_space<vmem>> -> memref<1x128xi32, #tpu.memory_space<vmem>>
    %dma_wait3A_78 = tpu.memref_squeeze %dma_wait3A_77 : memref<1x128xi32, #tpu.memory_space<vmem>> -> memref<128xi32, #tpu.memory_space<vmem>>
    %dma_wait3A_79 = arith.constant 0 : i32
    %dma_wait3A_80 = arith.constant 0 : i32
    %dma_wait3A_81 = tpu.memref_slice %arg5[%dma_wait3A_79, %dma_wait3A_80] : memref<100000x128xf32, #tpu.memory_space<hbm>> -> memref<100000x128xf32, #tpu.memory_space<hbm>>
    tpu.wait_indirect_dma semaphore(%arg12 : memref<!tpu.dma_semaphore, #tpu.memory_space<semaphore_mem>>) src(%dma_wait3A_81 : memref<100000x128xf32, #tpu.memory_space<hbm>>) dst(%arg10 : memref<128x128xf32, #tpu.memory_space<vmem>>)
    %add3A_82 = arith.constant 128 : i32
    %add3A_83 = arith.addi %mul3A_2, %add3A_82 : i32
    "tpu.region"() ({
      %run_scoped3A_84 = tpu.sem_alloc : memref<!tpu.dma_semaphore, #tpu.memory_space<semaphore_mem>>
      %dma_start3A_85 = arith.constant 0 : i32
      %dma_start3A_86 = tpu.memref_slice %arg7[%add3A_83, %dma_start3A_85] : memref<8192x128xf32, #tpu.memory_space<hbm>> -> memref<128x128xf32, #tpu.memory_space<hbm>>
      %dma_start3A_87 = arith.constant 0 : i32
      %dma_start3A_88 = tpu.memref_slice %arg7[%add3A_83, %dma_start3A_87] : memref<8192x128xf32, #tpu.memory_space<hbm>> -> memref<128x128xf32, #tpu.memory_space<hbm>>
      tpu.enqueue_dma source(%arg10 : memref<128x128xf32, #tpu.memory_space<vmem>>) target(%dma_start3A_88 : memref<128x128xf32, #tpu.memory_space<hbm>>) target_semaphore(%run_scoped3A_84 : memref<!tpu.dma_semaphore, #tpu.memory_space<semaphore_mem>>)
      %dma_wait3A_89 = arith.constant 0 : i32
      %dma_wait3A_90 = tpu.memref_slice %arg7[%add3A_83, %dma_wait3A_89] : memref<8192x128xf32, #tpu.memory_space<hbm>> -> memref<128x128xf32, #tpu.memory_space<hbm>>
      %dma_wait3A_91 = arith.constant 0 : i32
      %dma_wait3A_92 = tpu.memref_slice %arg7[%add3A_83, %dma_wait3A_91] : memref<8192x128xf32, #tpu.memory_space<hbm>> -> memref<128x128xf32, #tpu.memory_space<hbm>>
      tpu.wait_dma2 semaphore(%run_scoped3A_84 : memref<!tpu.dma_semaphore, #tpu.memory_space<semaphore_mem>>) src(%arg10 : memref<128x128xf32, #tpu.memory_space<vmem>>) dst(%dma_wait3A_92 : memref<128x128xf32, #tpu.memory_space<hbm>>)
      tpu.yield
    }) : () -> ()
    return
  }
}

#map = affine_map<(d0, d1) -> (0)>
#map1 = affine_map<(d0, d1) -> (0, 0)>
module attributes {stable_mosaic.version = 14 : i64} {
  func.func @body(%arg0: i32, %arg1: i32, %arg2: memref<16384xi32, #tpu.memory_space<hbm>>, %arg3: memref<16384xi32, #tpu.memory_space<hbm>>, %arg4: memref<1000000x128xf32, #tpu.memory_space<hbm>>, %arg5: memref<100000x128xf32, #tpu.memory_space<hbm>>, %arg6: memref<8192x128xf32, #tpu.memory_space<hbm>>, %arg7: memref<8192x128xf32, #tpu.memory_space<hbm>>, %arg8: memref<2x128xi32, #tpu.memory_space<vmem>>, %arg9: memref<128x128xf32, #tpu.memory_space<vmem>>, %arg10: memref<128x128xf32, #tpu.memory_space<vmem>>, %arg11: memref<!tpu.dma_semaphore, #tpu.memory_space<semaphore_mem>>, %arg12: memref<!tpu.dma_semaphore, #tpu.memory_space<semaphore_mem>>) attributes {dimension_semantics = [#tpu.dimension_semantics<core_parallel>, #tpu.dimension_semantics<subcore_parallel>], iteration_bounds = array<i64: 2, 16>, scalar_prefetch = 0 : i64, scratch_operands = 5 : i64, tpu.core_type = #tpu.core_type<sc_vector_subcore>, window_params = [{transform_indices = #map}, {transform_indices = #map}, {transform_indices = #map1}, {transform_indices = #map1}, {transform_indices = #map1}, {transform_indices = #map1}]} {
    %mul3A = arith.constant 2 : i32
    %mul3A_0 = arith.muli %arg1, %mul3A : i32
    %add3A = arith.addi %mul3A_0, %arg0 : i32
    %mul3A_1 = arith.constant 256 : i32
    %mul3A_2 = arith.muli %add3A, %mul3A_1 : i32
    %add3A_3 = arith.constant 8192 : i32
    %add3A_4 = arith.addi %add3A_3, %mul3A_2 : i32
    %add3A_5 = arith.constant 0 : i32
    %add3A_6 = arith.addi %add3A_4, %add3A_5 : i32
    %run_scoped3A = arith.constant 0 : i32
    "tpu.region"() ({
      %run_scoped3A_84 = tpu.sem_alloc : memref<!tpu.dma_semaphore, #tpu.memory_space<semaphore_mem>>
      %dma_start3A_85 = arith.constant 0 : i32
      %dma_start3A_86 = tpu.memref_slice %arg8[%run_scoped3A, %dma_start3A_85] : memref<2x128xi32, #tpu.memory_space<vmem>> -> memref<1x128xi32, #tpu.memory_space<vmem>>
      %dma_start3A_87 = tpu.memref_squeeze %dma_start3A_86 : memref<1x128xi32, #tpu.memory_space<vmem>> -> memref<128xi32, #tpu.memory_space<vmem>>
      %dma_start3A_88 = tpu.memref_slice %arg2[%add3A_6] : memref<16384xi32, #tpu.memory_space<hbm>> -> memref<128xi32, #tpu.memory_space<hbm>>
      %dma_start3A_89 = arith.constant 0 : i32
      %dma_start3A_90 = tpu.memref_slice %arg8[%run_scoped3A, %dma_start3A_89] : memref<2x128xi32, #tpu.memory_space<vmem>> -> memref<1x128xi32, #tpu.memory_space<vmem>>
      %dma_start3A_91 = tpu.memref_squeeze %dma_start3A_90 : memref<1x128xi32, #tpu.memory_space<vmem>> -> memref<128xi32, #tpu.memory_space<vmem>>
      %dma_start3A_92 = tpu.memref_slice %arg2[%add3A_6] : memref<16384xi32, #tpu.memory_space<hbm>> -> memref<128xi32, #tpu.memory_space<hbm>>
      tpu.enqueue_dma source(%dma_start3A_92 : memref<128xi32, #tpu.memory_space<hbm>>) target(%dma_start3A_91 : memref<128xi32, #tpu.memory_space<vmem>>) target_semaphore(%run_scoped3A_84 : memref<!tpu.dma_semaphore, #tpu.memory_space<semaphore_mem>>)
      %dma_wait3A_93 = arith.constant 0 : i32
      %dma_wait3A_94 = tpu.memref_slice %arg8[%run_scoped3A, %dma_wait3A_93] : memref<2x128xi32, #tpu.memory_space<vmem>> -> memref<1x128xi32, #tpu.memory_space<vmem>>
      %dma_wait3A_95 = tpu.memref_squeeze %dma_wait3A_94 : memref<1x128xi32, #tpu.memory_space<vmem>> -> memref<128xi32, #tpu.memory_space<vmem>>
      %dma_wait3A_96 = tpu.memref_slice %arg2[%add3A_6] : memref<16384xi32, #tpu.memory_space<hbm>> -> memref<128xi32, #tpu.memory_space<hbm>>
      %dma_wait3A_97 = arith.constant 0 : i32
      %dma_wait3A_98 = tpu.memref_slice %arg8[%run_scoped3A, %dma_wait3A_97] : memref<2x128xi32, #tpu.memory_space<vmem>> -> memref<1x128xi32, #tpu.memory_space<vmem>>
      %dma_wait3A_99 = tpu.memref_squeeze %dma_wait3A_98 : memref<1x128xi32, #tpu.memory_space<vmem>> -> memref<128xi32, #tpu.memory_space<vmem>>
      %dma_wait3A_100 = tpu.memref_slice %arg2[%add3A_6] : memref<16384xi32, #tpu.memory_space<hbm>> -> memref<128xi32, #tpu.memory_space<hbm>>
      tpu.wait_dma2 semaphore(%run_scoped3A_84 : memref<!tpu.dma_semaphore, #tpu.memory_space<semaphore_mem>>) src(%dma_wait3A_100 : memref<128xi32, #tpu.memory_space<hbm>>) dst(%dma_wait3A_99 : memref<128xi32, #tpu.memory_space<vmem>>)
      tpu.yield
    }) : () -> ()
    %add3A_7 = arith.constant 8192 : i32
    %add3A_8 = arith.addi %add3A_7, %mul3A_2 : i32
    %add3A_9 = arith.constant 128 : i32
    %add3A_10 = arith.addi %add3A_8, %add3A_9 : i32
    %run_scoped3A_11 = arith.constant 1 : i32
    "tpu.region"() ({
      %run_scoped3A_84 = tpu.sem_alloc : memref<!tpu.dma_semaphore, #tpu.memory_space<semaphore_mem>>
      %dma_start3A_85 = arith.constant 0 : i32
      %dma_start3A_86 = tpu.memref_slice %arg8[%run_scoped3A_11, %dma_start3A_85] : memref<2x128xi32, #tpu.memory_space<vmem>> -> memref<1x128xi32, #tpu.memory_space<vmem>>
      %dma_start3A_87 = tpu.memref_squeeze %dma_start3A_86 : memref<1x128xi32, #tpu.memory_space<vmem>> -> memref<128xi32, #tpu.memory_space<vmem>>
      %dma_start3A_88 = tpu.memref_slice %arg2[%add3A_10] : memref<16384xi32, #tpu.memory_space<hbm>> -> memref<128xi32, #tpu.memory_space<hbm>>
      %dma_start3A_89 = arith.constant 0 : i32
      %dma_start3A_90 = tpu.memref_slice %arg8[%run_scoped3A_11, %dma_start3A_89] : memref<2x128xi32, #tpu.memory_space<vmem>> -> memref<1x128xi32, #tpu.memory_space<vmem>>
      %dma_start3A_91 = tpu.memref_squeeze %dma_start3A_90 : memref<1x128xi32, #tpu.memory_space<vmem>> -> memref<128xi32, #tpu.memory_space<vmem>>
      %dma_start3A_92 = tpu.memref_slice %arg2[%add3A_10] : memref<16384xi32, #tpu.memory_space<hbm>> -> memref<128xi32, #tpu.memory_space<hbm>>
      tpu.enqueue_dma source(%dma_start3A_92 : memref<128xi32, #tpu.memory_space<hbm>>) target(%dma_start3A_91 : memref<128xi32, #tpu.memory_space<vmem>>) target_semaphore(%run_scoped3A_84 : memref<!tpu.dma_semaphore, #tpu.memory_space<semaphore_mem>>)
      %dma_wait3A_93 = arith.constant 0 : i32
      %dma_wait3A_94 = tpu.memref_slice %arg8[%run_scoped3A_11, %dma_wait3A_93] : memref<2x128xi32, #tpu.memory_space<vmem>> -> memref<1x128xi32, #tpu.memory_space<vmem>>
      %dma_wait3A_95 = tpu.memref_squeeze %dma_wait3A_94 : memref<1x128xi32, #tpu.memory_space<vmem>> -> memref<128xi32, #tpu.memory_space<vmem>>
      %dma_wait3A_96 = tpu.memref_slice %arg2[%add3A_10] : memref<16384xi32, #tpu.memory_space<hbm>> -> memref<128xi32, #tpu.memory_space<hbm>>
      %dma_wait3A_97 = arith.constant 0 : i32
      %dma_wait3A_98 = tpu.memref_slice %arg8[%run_scoped3A_11, %dma_wait3A_97] : memref<2x128xi32, #tpu.memory_space<vmem>> -> memref<1x128xi32, #tpu.memory_space<vmem>>
      %dma_wait3A_99 = tpu.memref_squeeze %dma_wait3A_98 : memref<1x128xi32, #tpu.memory_space<vmem>> -> memref<128xi32, #tpu.memory_space<vmem>>
      %dma_wait3A_100 = tpu.memref_slice %arg2[%add3A_10] : memref<16384xi32, #tpu.memory_space<hbm>> -> memref<128xi32, #tpu.memory_space<hbm>>
      tpu.wait_dma2 semaphore(%run_scoped3A_84 : memref<!tpu.dma_semaphore, #tpu.memory_space<semaphore_mem>>) src(%dma_wait3A_100 : memref<128xi32, #tpu.memory_space<hbm>>) dst(%dma_wait3A_99 : memref<128xi32, #tpu.memory_space<vmem>>)
      tpu.yield
    }) : () -> ()
    %dma_start3A = arith.constant 0 : i32
    %dma_start3A_12 = arith.constant 0 : i32
    %dma_start3A_13 = tpu.memref_slice %arg8[%dma_start3A, %dma_start3A_12] : memref<2x128xi32, #tpu.memory_space<vmem>> -> memref<1x128xi32, #tpu.memory_space<vmem>>
    %dma_start3A_14 = tpu.memref_squeeze %dma_start3A_13 : memref<1x128xi32, #tpu.memory_space<vmem>> -> memref<128xi32, #tpu.memory_space<vmem>>
    %dma_start3A_15 = arith.constant 0 : i32
    %dma_start3A_16 = arith.constant 0 : i32
    %dma_start3A_17 = tpu.memref_slice %arg4[%dma_start3A_15, %dma_start3A_16] : memref<1000000x128xf32, #tpu.memory_space<hbm>> -> memref<1000000x128xf32, #tpu.memory_space<hbm>>
    tpu.enqueue_indirect_dma source(%dma_start3A_17 : memref<1000000x128xf32, #tpu.memory_space<hbm>>) target(%arg9 : memref<128x128xf32, #tpu.memory_space<vmem>>) offsets(%dma_start3A_14 : memref<128xi32, #tpu.memory_space<vmem>>) semaphore(%arg11 : memref<!tpu.dma_semaphore, #tpu.memory_space<semaphore_mem>>)
    %dma_start3A_18 = arith.constant 1 : i32
    %dma_start3A_19 = arith.constant 0 : i32
    %dma_start3A_20 = tpu.memref_slice %arg8[%dma_start3A_18, %dma_start3A_19] : memref<2x128xi32, #tpu.memory_space<vmem>> -> memref<1x128xi32, #tpu.memory_space<vmem>>
    %dma_start3A_21 = tpu.memref_squeeze %dma_start3A_20 : memref<1x128xi32, #tpu.memory_space<vmem>> -> memref<128xi32, #tpu.memory_space<vmem>>
    %dma_start3A_22 = arith.constant 0 : i32
    %dma_start3A_23 = arith.constant 0 : i32
    %dma_start3A_24 = tpu.memref_slice %arg4[%dma_start3A_22, %dma_start3A_23] : memref<1000000x128xf32, #tpu.memory_space<hbm>> -> memref<1000000x128xf32, #tpu.memory_space<hbm>>
    tpu.enqueue_indirect_dma source(%dma_start3A_24 : memref<1000000x128xf32, #tpu.memory_space<hbm>>) target(%arg10 : memref<128x128xf32, #tpu.memory_space<vmem>>) offsets(%dma_start3A_21 : memref<128xi32, #tpu.memory_space<vmem>>) semaphore(%arg12 : memref<!tpu.dma_semaphore, #tpu.memory_space<semaphore_mem>>)
    %dma_wait3A = arith.constant 0 : i32
    %dma_wait3A_25 = arith.constant 0 : i32
    %dma_wait3A_26 = tpu.memref_slice %arg8[%dma_wait3A, %dma_wait3A_25] : memref<2x128xi32, #tpu.memory_space<vmem>> -> memref<1x128xi32, #tpu.memory_space<vmem>>
    %dma_wait3A_27 = tpu.memref_squeeze %dma_wait3A_26 : memref<1x128xi32, #tpu.memory_space<vmem>> -> memref<128xi32, #tpu.memory_space<vmem>>
    %dma_wait3A_28 = arith.constant 0 : i32
    %dma_wait3A_29 = arith.constant 0 : i32
    %dma_wait3A_30 = tpu.memref_slice %arg4[%dma_wait3A_28, %dma_wait3A_29] : memref<1000000x128xf32, #tpu.memory_space<hbm>> -> memref<1000000x128xf32, #tpu.memory_space<hbm>>
    tpu.wait_indirect_dma semaphore(%arg11 : memref<!tpu.dma_semaphore, #tpu.memory_space<semaphore_mem>>) src(%dma_wait3A_30 : memref<1000000x128xf32, #tpu.memory_space<hbm>>) dst(%arg9 : memref<128x128xf32, #tpu.memory_space<vmem>>)
    %add3A_31 = arith.constant 0 : i32
    %add3A_32 = arith.addi %mul3A_2, %add3A_31 : i32
    "tpu.region"() ({
      %run_scoped3A_84 = tpu.sem_alloc : memref<!tpu.dma_semaphore, #tpu.memory_space<semaphore_mem>>
      %dma_start3A_85 = arith.constant 0 : i32
      %dma_start3A_86 = tpu.memref_slice %arg6[%add3A_32, %dma_start3A_85] : memref<8192x128xf32, #tpu.memory_space<hbm>> -> memref<128x128xf32, #tpu.memory_space<hbm>>
      %dma_start3A_87 = arith.constant 0 : i32
      %dma_start3A_88 = tpu.memref_slice %arg6[%add3A_32, %dma_start3A_87] : memref<8192x128xf32, #tpu.memory_space<hbm>> -> memref<128x128xf32, #tpu.memory_space<hbm>>
      tpu.enqueue_dma source(%arg9 : memref<128x128xf32, #tpu.memory_space<vmem>>) target(%dma_start3A_88 : memref<128x128xf32, #tpu.memory_space<hbm>>) target_semaphore(%run_scoped3A_84 : memref<!tpu.dma_semaphore, #tpu.memory_space<semaphore_mem>>)
      %dma_wait3A_89 = arith.constant 0 : i32
      %dma_wait3A_90 = tpu.memref_slice %arg6[%add3A_32, %dma_wait3A_89] : memref<8192x128xf32, #tpu.memory_space<hbm>> -> memref<128x128xf32, #tpu.memory_space<hbm>>
      %dma_wait3A_91 = arith.constant 0 : i32
      %dma_wait3A_92 = tpu.memref_slice %arg6[%add3A_32, %dma_wait3A_91] : memref<8192x128xf32, #tpu.memory_space<hbm>> -> memref<128x128xf32, #tpu.memory_space<hbm>>
      tpu.wait_dma2 semaphore(%run_scoped3A_84 : memref<!tpu.dma_semaphore, #tpu.memory_space<semaphore_mem>>) src(%arg9 : memref<128x128xf32, #tpu.memory_space<vmem>>) dst(%dma_wait3A_92 : memref<128x128xf32, #tpu.memory_space<hbm>>)
      tpu.yield
    }) : () -> ()
    %dma_wait3A_33 = arith.constant 1 : i32
    %dma_wait3A_34 = arith.constant 0 : i32
    %dma_wait3A_35 = tpu.memref_slice %arg8[%dma_wait3A_33, %dma_wait3A_34] : memref<2x128xi32, #tpu.memory_space<vmem>> -> memref<1x128xi32, #tpu.memory_space<vmem>>
    %dma_wait3A_36 = tpu.memref_squeeze %dma_wait3A_35 : memref<1x128xi32, #tpu.memory_space<vmem>> -> memref<128xi32, #tpu.memory_space<vmem>>
    %dma_wait3A_37 = arith.constant 0 : i32
    %dma_wait3A_38 = arith.constant 0 : i32
    %dma_wait3A_39 = tpu.memref_slice %arg4[%dma_wait3A_37, %dma_wait3A_38] : memref<1000000x128xf32, #tpu.memory_space<hbm>> -> memref<1000000x128xf32, #tpu.memory_space<hbm>>
    tpu.wait_indirect_dma semaphore(%arg12 : memref<!tpu.dma_semaphore, #tpu.memory_space<semaphore_mem>>) src(%dma_wait3A_39 : memref<1000000x128xf32, #tpu.memory_space<hbm>>) dst(%arg10 : memref<128x128xf32, #tpu.memory_space<vmem>>)
    %add3A_40 = arith.constant 128 : i32
    %add3A_41 = arith.addi %mul3A_2, %add3A_40 : i32
    "tpu.region"() ({
      %run_scoped3A_84 = tpu.sem_alloc : memref<!tpu.dma_semaphore, #tpu.memory_space<semaphore_mem>>
      %dma_start3A_85 = arith.constant 0 : i32
      %dma_start3A_86 = tpu.memref_slice %arg6[%add3A_41, %dma_start3A_85] : memref<8192x128xf32, #tpu.memory_space<hbm>> -> memref<128x128xf32, #tpu.memory_space<hbm>>
      %dma_start3A_87 = arith.constant 0 : i32
      %dma_start3A_88 = tpu.memref_slice %arg6[%add3A_41, %dma_start3A_87] : memref<8192x128xf32, #tpu.memory_space<hbm>> -> memref<128x128xf32, #tpu.memory_space<hbm>>
      tpu.enqueue_dma source(%arg10 : memref<128x128xf32, #tpu.memory_space<vmem>>) target(%dma_start3A_88 : memref<128x128xf32, #tpu.memory_space<hbm>>) target_semaphore(%run_scoped3A_84 : memref<!tpu.dma_semaphore, #tpu.memory_space<semaphore_mem>>)
      %dma_wait3A_89 = arith.constant 0 : i32
      %dma_wait3A_90 = tpu.memref_slice %arg6[%add3A_41, %dma_wait3A_89] : memref<8192x128xf32, #tpu.memory_space<hbm>> -> memref<128x128xf32, #tpu.memory_space<hbm>>
      %dma_wait3A_91 = arith.constant 0 : i32
      %dma_wait3A_92 = tpu.memref_slice %arg6[%add3A_41, %dma_wait3A_91] : memref<8192x128xf32, #tpu.memory_space<hbm>> -> memref<128x128xf32, #tpu.memory_space<hbm>>
      tpu.wait_dma2 semaphore(%run_scoped3A_84 : memref<!tpu.dma_semaphore, #tpu.memory_space<semaphore_mem>>) src(%arg10 : memref<128x128xf32, #tpu.memory_space<vmem>>) dst(%dma_wait3A_92 : memref<128x128xf32, #tpu.memory_space<hbm>>)
      tpu.yield
    }) : () -> ()
    %add3A_42 = arith.constant 8192 : i32
    %add3A_43 = arith.addi %add3A_42, %mul3A_2 : i32
    %add3A_44 = arith.constant 0 : i32
    %add3A_45 = arith.addi %add3A_43, %add3A_44 : i32
    %run_scoped3A_46 = arith.constant 0 : i32
    "tpu.region"() ({
      %run_scoped3A_84 = tpu.sem_alloc : memref<!tpu.dma_semaphore, #tpu.memory_space<semaphore_mem>>
      %dma_start3A_85 = arith.constant 0 : i32
      %dma_start3A_86 = tpu.memref_slice %arg8[%run_scoped3A_46, %dma_start3A_85] : memref<2x128xi32, #tpu.memory_space<vmem>> -> memref<1x128xi32, #tpu.memory_space<vmem>>
      %dma_start3A_87 = tpu.memref_squeeze %dma_start3A_86 : memref<1x128xi32, #tpu.memory_space<vmem>> -> memref<128xi32, #tpu.memory_space<vmem>>
      %dma_start3A_88 = tpu.memref_slice %arg3[%add3A_45] : memref<16384xi32, #tpu.memory_space<hbm>> -> memref<128xi32, #tpu.memory_space<hbm>>
      %dma_start3A_89 = arith.constant 0 : i32
      %dma_start3A_90 = tpu.memref_slice %arg8[%run_scoped3A_46, %dma_start3A_89] : memref<2x128xi32, #tpu.memory_space<vmem>> -> memref<1x128xi32, #tpu.memory_space<vmem>>
      %dma_start3A_91 = tpu.memref_squeeze %dma_start3A_90 : memref<1x128xi32, #tpu.memory_space<vmem>> -> memref<128xi32, #tpu.memory_space<vmem>>
      %dma_start3A_92 = tpu.memref_slice %arg3[%add3A_45] : memref<16384xi32, #tpu.memory_space<hbm>> -> memref<128xi32, #tpu.memory_space<hbm>>
      tpu.enqueue_dma source(%dma_start3A_92 : memref<128xi32, #tpu.memory_space<hbm>>) target(%dma_start3A_91 : memref<128xi32, #tpu.memory_space<vmem>>) target_semaphore(%run_scoped3A_84 : memref<!tpu.dma_semaphore, #tpu.memory_space<semaphore_mem>>)
      %dma_wait3A_93 = arith.constant 0 : i32
      %dma_wait3A_94 = tpu.memref_slice %arg8[%run_scoped3A_46, %dma_wait3A_93] : memref<2x128xi32, #tpu.memory_space<vmem>> -> memref<1x128xi32, #tpu.memory_space<vmem>>
      %dma_wait3A_95 = tpu.memref_squeeze %dma_wait3A_94 : memref<1x128xi32, #tpu.memory_space<vmem>> -> memref<128xi32, #tpu.memory_space<vmem>>
      %dma_wait3A_96 = tpu.memref_slice %arg3[%add3A_45] : memref<16384xi32, #tpu.memory_space<hbm>> -> memref<128xi32, #tpu.memory_space<hbm>>
      %dma_wait3A_97 = arith.constant 0 : i32
      %dma_wait3A_98 = tpu.memref_slice %arg8[%run_scoped3A_46, %dma_wait3A_97] : memref<2x128xi32, #tpu.memory_space<vmem>> -> memref<1x128xi32, #tpu.memory_space<vmem>>
      %dma_wait3A_99 = tpu.memref_squeeze %dma_wait3A_98 : memref<1x128xi32, #tpu.memory_space<vmem>> -> memref<128xi32, #tpu.memory_space<vmem>>
      %dma_wait3A_100 = tpu.memref_slice %arg3[%add3A_45] : memref<16384xi32, #tpu.memory_space<hbm>> -> memref<128xi32, #tpu.memory_space<hbm>>
      tpu.wait_dma2 semaphore(%run_scoped3A_84 : memref<!tpu.dma_semaphore, #tpu.memory_space<semaphore_mem>>) src(%dma_wait3A_100 : memref<128xi32, #tpu.memory_space<hbm>>) dst(%dma_wait3A_99 : memref<128xi32, #tpu.memory_space<vmem>>)
      tpu.yield
    }) : () -> ()
    %add3A_47 = arith.constant 8192 : i32
    %add3A_48 = arith.addi %add3A_47, %mul3A_2 : i32
    %add3A_49 = arith.constant 128 : i32
    %add3A_50 = arith.addi %add3A_48, %add3A_49 : i32
    %run_scoped3A_51 = arith.constant 1 : i32
    "tpu.region"() ({
      %run_scoped3A_84 = tpu.sem_alloc : memref<!tpu.dma_semaphore, #tpu.memory_space<semaphore_mem>>
      %dma_start3A_85 = arith.constant 0 : i32
      %dma_start3A_86 = tpu.memref_slice %arg8[%run_scoped3A_51, %dma_start3A_85] : memref<2x128xi32, #tpu.memory_space<vmem>> -> memref<1x128xi32, #tpu.memory_space<vmem>>
      %dma_start3A_87 = tpu.memref_squeeze %dma_start3A_86 : memref<1x128xi32, #tpu.memory_space<vmem>> -> memref<128xi32, #tpu.memory_space<vmem>>
      %dma_start3A_88 = tpu.memref_slice %arg3[%add3A_50] : memref<16384xi32, #tpu.memory_space<hbm>> -> memref<128xi32, #tpu.memory_space<hbm>>
      %dma_start3A_89 = arith.constant 0 : i32
      %dma_start3A_90 = tpu.memref_slice %arg8[%run_scoped3A_51, %dma_start3A_89] : memref<2x128xi32, #tpu.memory_space<vmem>> -> memref<1x128xi32, #tpu.memory_space<vmem>>
      %dma_start3A_91 = tpu.memref_squeeze %dma_start3A_90 : memref<1x128xi32, #tpu.memory_space<vmem>> -> memref<128xi32, #tpu.memory_space<vmem>>
      %dma_start3A_92 = tpu.memref_slice %arg3[%add3A_50] : memref<16384xi32, #tpu.memory_space<hbm>> -> memref<128xi32, #tpu.memory_space<hbm>>
      tpu.enqueue_dma source(%dma_start3A_92 : memref<128xi32, #tpu.memory_space<hbm>>) target(%dma_start3A_91 : memref<128xi32, #tpu.memory_space<vmem>>) target_semaphore(%run_scoped3A_84 : memref<!tpu.dma_semaphore, #tpu.memory_space<semaphore_mem>>)
      %dma_wait3A_93 = arith.constant 0 : i32
      %dma_wait3A_94 = tpu.memref_slice %arg8[%run_scoped3A_51, %dma_wait3A_93] : memref<2x128xi32, #tpu.memory_space<vmem>> -> memref<1x128xi32, #tpu.memory_space<vmem>>
      %dma_wait3A_95 = tpu.memref_squeeze %dma_wait3A_94 : memref<1x128xi32, #tpu.memory_space<vmem>> -> memref<128xi32, #tpu.memory_space<vmem>>
      %dma_wait3A_96 = tpu.memref_slice %arg3[%add3A_50] : memref<16384xi32, #tpu.memory_space<hbm>> -> memref<128xi32, #tpu.memory_space<hbm>>
      %dma_wait3A_97 = arith.constant 0 : i32
      %dma_wait3A_98 = tpu.memref_slice %arg8[%run_scoped3A_51, %dma_wait3A_97] : memref<2x128xi32, #tpu.memory_space<vmem>> -> memref<1x128xi32, #tpu.memory_space<vmem>>
      %dma_wait3A_99 = tpu.memref_squeeze %dma_wait3A_98 : memref<1x128xi32, #tpu.memory_space<vmem>> -> memref<128xi32, #tpu.memory_space<vmem>>
      %dma_wait3A_100 = tpu.memref_slice %arg3[%add3A_50] : memref<16384xi32, #tpu.memory_space<hbm>> -> memref<128xi32, #tpu.memory_space<hbm>>
      tpu.wait_dma2 semaphore(%run_scoped3A_84 : memref<!tpu.dma_semaphore, #tpu.memory_space<semaphore_mem>>) src(%dma_wait3A_100 : memref<128xi32, #tpu.memory_space<hbm>>) dst(%dma_wait3A_99 : memref<128xi32, #tpu.memory_space<vmem>>)
      tpu.yield
    }) : () -> ()
    %dma_start3A_52 = arith.constant 0 : i32
    %dma_start3A_53 = arith.constant 0 : i32
    %dma_start3A_54 = tpu.memref_slice %arg8[%dma_start3A_52, %dma_start3A_53] : memref<2x128xi32, #tpu.memory_space<vmem>> -> memref<1x128xi32, #tpu.memory_space<vmem>>
    %dma_start3A_55 = tpu.memref_squeeze %dma_start3A_54 : memref<1x128xi32, #tpu.memory_space<vmem>> -> memref<128xi32, #tpu.memory_space<vmem>>
    %dma_start3A_56 = arith.constant 0 : i32
    %dma_start3A_57 = arith.constant 0 : i32
    %dma_start3A_58 = tpu.memref_slice %arg5[%dma_start3A_56, %dma_start3A_57] : memref<100000x128xf32, #tpu.memory_space<hbm>> -> memref<100000x128xf32, #tpu.memory_space<hbm>>
    tpu.enqueue_indirect_dma source(%dma_start3A_58 : memref<100000x128xf32, #tpu.memory_space<hbm>>) target(%arg9 : memref<128x128xf32, #tpu.memory_space<vmem>>) offsets(%dma_start3A_55 : memref<128xi32, #tpu.memory_space<vmem>>) semaphore(%arg11 : memref<!tpu.dma_semaphore, #tpu.memory_space<semaphore_mem>>)
    %dma_start3A_59 = arith.constant 1 : i32
    %dma_start3A_60 = arith.constant 0 : i32
    %dma_start3A_61 = tpu.memref_slice %arg8[%dma_start3A_59, %dma_start3A_60] : memref<2x128xi32, #tpu.memory_space<vmem>> -> memref<1x128xi32, #tpu.memory_space<vmem>>
    %dma_start3A_62 = tpu.memref_squeeze %dma_start3A_61 : memref<1x128xi32, #tpu.memory_space<vmem>> -> memref<128xi32, #tpu.memory_space<vmem>>
    %dma_start3A_63 = arith.constant 0 : i32
    %dma_start3A_64 = arith.constant 0 : i32
    %dma_start3A_65 = tpu.memref_slice %arg5[%dma_start3A_63, %dma_start3A_64] : memref<100000x128xf32, #tpu.memory_space<hbm>> -> memref<100000x128xf32, #tpu.memory_space<hbm>>
    tpu.enqueue_indirect_dma source(%dma_start3A_65 : memref<100000x128xf32, #tpu.memory_space<hbm>>) target(%arg10 : memref<128x128xf32, #tpu.memory_space<vmem>>) offsets(%dma_start3A_62 : memref<128xi32, #tpu.memory_space<vmem>>) semaphore(%arg12 : memref<!tpu.dma_semaphore, #tpu.memory_space<semaphore_mem>>)
    %dma_wait3A_66 = arith.constant 0 : i32
    %dma_wait3A_67 = arith.constant 0 : i32
    %dma_wait3A_68 = tpu.memref_slice %arg8[%dma_wait3A_66, %dma_wait3A_67] : memref<2x128xi32, #tpu.memory_space<vmem>> -> memref<1x128xi32, #tpu.memory_space<vmem>>
    %dma_wait3A_69 = tpu.memref_squeeze %dma_wait3A_68 : memref<1x128xi32, #tpu.memory_space<vmem>> -> memref<128xi32, #tpu.memory_space<vmem>>
    %dma_wait3A_70 = arith.constant 0 : i32
    %dma_wait3A_71 = arith.constant 0 : i32
    %dma_wait3A_72 = tpu.memref_slice %arg5[%dma_wait3A_70, %dma_wait3A_71] : memref<100000x128xf32, #tpu.memory_space<hbm>> -> memref<100000x128xf32, #tpu.memory_space<hbm>>
    tpu.wait_indirect_dma semaphore(%arg11 : memref<!tpu.dma_semaphore, #tpu.memory_space<semaphore_mem>>) src(%dma_wait3A_72 : memref<100000x128xf32, #tpu.memory_space<hbm>>) dst(%arg9 : memref<128x128xf32, #tpu.memory_space<vmem>>)
    %add3A_73 = arith.constant 0 : i32
    %add3A_74 = arith.addi %mul3A_2, %add3A_73 : i32
    "tpu.region"() ({
      %run_scoped3A_84 = tpu.sem_alloc : memref<!tpu.dma_semaphore, #tpu.memory_space<semaphore_mem>>
      %dma_start3A_85 = arith.constant 0 : i32
      %dma_start3A_86 = tpu.memref_slice %arg7[%add3A_74, %dma_start3A_85] : memref<8192x128xf32, #tpu.memory_space<hbm>> -> memref<128x128xf32, #tpu.memory_space<hbm>>
      %dma_start3A_87 = arith.constant 0 : i32
      %dma_start3A_88 = tpu.memref_slice %arg7[%add3A_74, %dma_start3A_87] : memref<8192x128xf32, #tpu.memory_space<hbm>> -> memref<128x128xf32, #tpu.memory_space<hbm>>
      tpu.enqueue_dma source(%arg9 : memref<128x128xf32, #tpu.memory_space<vmem>>) target(%dma_start3A_88 : memref<128x128xf32, #tpu.memory_space<hbm>>) target_semaphore(%run_scoped3A_84 : memref<!tpu.dma_semaphore, #tpu.memory_space<semaphore_mem>>)
      %dma_wait3A_89 = arith.constant 0 : i32
      %dma_wait3A_90 = tpu.memref_slice %arg7[%add3A_74, %dma_wait3A_89] : memref<8192x128xf32, #tpu.memory_space<hbm>> -> memref<128x128xf32, #tpu.memory_space<hbm>>
      %dma_wait3A_91 = arith.constant 0 : i32
      %dma_wait3A_92 = tpu.memref_slice %arg7[%add3A_74, %dma_wait3A_91] : memref<8192x128xf32, #tpu.memory_space<hbm>> -> memref<128x128xf32, #tpu.memory_space<hbm>>
      tpu.wait_dma2 semaphore(%run_scoped3A_84 : memref<!tpu.dma_semaphore, #tpu.memory_space<semaphore_mem>>) src(%arg9 : memref<128x128xf32, #tpu.memory_space<vmem>>) dst(%dma_wait3A_92 : memref<128x128xf32, #tpu.memory_space<hbm>>)
      tpu.yield
    }) : () -> ()
    %dma_wait3A_75 = arith.constant 1 : i32
    %dma_wait3A_76 = arith.constant 0 : i32
    %dma_wait3A_77 = tpu.memref_slice %arg8[%dma_wait3A_75, %dma_wait3A_76] : memref<2x128xi32, #tpu.memory_space<vmem>> -> memref<1x128xi32, #tpu.memory_space<vmem>>
    %dma_wait3A_78 = tpu.memref_squeeze %dma_wait3A_77 : memref<1x128xi32, #tpu.memory_space<vmem>> -> memref<128xi32, #tpu.memory_space<vmem>>
    %dma_wait3A_79 = arith.constant 0 : i32
    %dma_wait3A_80 = arith.constant 0 : i32
    %dma_wait3A_81 = tpu.memref_slice %arg5[%dma_wait3A_79, %dma_wait3A_80] : memref<100000x128xf32, #tpu.memory_space<hbm>> -> memref<100000x128xf32, #tpu.memory_space<hbm>>
    tpu.wait_indirect_dma semaphore(%arg12 : memref<!tpu.dma_semaphore, #tpu.memory_space<semaphore_mem>>) src(%dma_wait3A_81 : memref<100000x128xf32, #tpu.memory_space<hbm>>) dst(%arg10 : memref<128x128xf32, #tpu.memory_space<vmem>>)
    %add3A_82 = arith.constant 128 : i32
    %add3A_83 = arith.addi %mul3A_2, %add3A_82 : i32
    "tpu.region"() ({
      %run_scoped3A_84 = tpu.sem_alloc : memref<!tpu.dma_semaphore, #tpu.memory_space<semaphore_mem>>
      %dma_start3A_85 = arith.constant 0 : i32
      %dma_start3A_86 = tpu.memref_slice %arg7[%add3A_83, %dma_start3A_85] : memref<8192x128xf32, #tpu.memory_space<hbm>> -> memref<128x128xf32, #tpu.memory_space<hbm>>
      %dma_start3A_87 = arith.constant 0 : i32
      %dma_start3A_88 = tpu.memref_slice %arg7[%add3A_83, %dma_start3A_87] : memref<8192x128xf32, #tpu.memory_space<hbm>> -> memref<128x128xf32, #tpu.memory_space<hbm>>
      tpu.enqueue_dma source(%arg10 : memref<128x128xf32, #tpu.memory_space<vmem>>) target(%dma_start3A_88 : memref<128x128xf32, #tpu.memory_space<hbm>>) target_semaphore(%run_scoped3A_84 : memref<!tpu.dma_semaphore, #tpu.memory_space<semaphore_mem>>)
      %dma_wait3A_89 = arith.constant 0 : i32
      %dma_wait3A_90 = tpu.memref_slice %arg7[%add3A_83, %dma_wait3A_89] : memref<8192x128xf32, #tpu.memory_space<hbm>> -> memref<128x128xf32, #tpu.memory_space<hbm>>
      %dma_wait3A_91 = arith.constant 0 : i32
      %dma_wait3A_92 = tpu.memref_slice %arg7[%add3A_83, %dma_wait3A_91] : memref<8192x128xf32, #tpu.memory_space<hbm>> -> memref<128x128xf32, #tpu.memory_space<hbm>>
      tpu.wait_dma2 semaphore(%run_scoped3A_84 : memref<!tpu.dma_semaphore, #tpu.memory_space<semaphore_mem>>) src(%arg10 : memref<128x128xf32, #tpu.memory_space<vmem>>) dst(%dma_wait3A_92 : memref<128x128xf32, #tpu.memory_space<hbm>>)
      tpu.yield
    }) : () -> ()
    return
  }
}

module attributes {stable_mosaic.version = 14 : i64} {
  func.func @_mlp_body(%arg0: i32, %arg1: memref<4096x128xf32, #tpu.memory_space<vmem>>, %arg2: memref<4096x128xf32, #tpu.memory_space<vmem>>, %arg3: memref<256x256xf32, #tpu.memory_space<vmem>>, %arg4: memref<128x256xf32, #tpu.memory_space<vmem>>, %arg5: memref<64x128xf32, #tpu.memory_space<vmem>>, %arg6: memref<3x256xf32, #tpu.memory_space<vmem>>, %arg7: memref<3x128xf32, #tpu.memory_space<vmem>>, %arg8: memref<5x64xf32, #tpu.memory_space<vmem>>, %arg9: memref<1x1x4096xf32, #tpu.memory_space<vmem>>) attributes {dimension_semantics = [#tpu.dimension_semantics<arbitrary>], iteration_bounds = array<i64: 2>, scalar_prefetch = 0 : i64, scratch_operands = 0 : i64, tpu.core_type = #tpu.core_type<tc>, window_params = [{transform_indices = @transform_0, window_bounds = array<i64: 4096, 128>}, {transform_indices = @transform_1, window_bounds = array<i64: 4096, 128>}, {pipeline_mode = #tpu.pipeline_mode<synchronous>, transform_indices = @transform_2, window_bounds = array<i64: 256, 256>}, {pipeline_mode = #tpu.pipeline_mode<synchronous>, transform_indices = @transform_3, window_bounds = array<i64: 128, 256>}, {pipeline_mode = #tpu.pipeline_mode<synchronous>, transform_indices = @transform_4, window_bounds = array<i64: 64, 128>}, {pipeline_mode = #tpu.pipeline_mode<synchronous>, transform_indices = @transform_5, window_bounds = array<i64: 3, 256>}, {pipeline_mode = #tpu.pipeline_mode<synchronous>, transform_indices = @transform_6, window_bounds = array<i64: 3, 128>}, {pipeline_mode = #tpu.pipeline_mode<synchronous>, transform_indices = @transform_7, window_bounds = array<i64: 5, 64>}, {transform_indices = @transform_8, window_bounds = array<i64: 1, 1, 4096>}]} {
    %get3A = arith.constant 0 : index
    %get3A_0 = arith.constant 0 : index
    %get3A_1 = vector.load %arg3[%get3A, %get3A_0] : memref<256x256xf32, #tpu.memory_space<vmem>>, vector<256x256xf32>
    %convert_element_type3A = arith.truncf %get3A_1 : vector<256x256xf32> to vector<256x256xbf16>
    %get3A_2 = arith.constant 0 : index
    %get3A_3 = arith.constant 0 : index
    %get3A_4 = vector.load %arg6[%get3A_2, %get3A_3] : memref<3x256xf32, #tpu.memory_space<vmem>>, vector<3x256xf32>
    %get3A_5 = arith.constant 0 : index
    %get3A_6 = arith.constant 0 : index
    %get3A_7 = vector.load %arg7[%get3A_5, %get3A_6] : memref<3x128xf32, #tpu.memory_space<vmem>>, vector<3x128xf32>
    %get3A_8 = arith.constant 0 : index
    %get3A_9 = arith.constant 0 : index
    %get3A_10 = vector.load %arg8[%get3A_8, %get3A_9] : memref<5x64xf32, #tpu.memory_space<vmem>>, vector<5x64xf32>
    %get3A_11 = arith.constant 0 : index
    %get3A_12 = arith.constant 0 : index
    %get3A_13 = vector.load %arg1[%get3A_11, %get3A_12] : memref<4096x128xf32, #tpu.memory_space<vmem>>, vector<4096x128xf32>
    %convert_element_type3A_14 = arith.truncf %get3A_13 : vector<4096x128xf32> to vector<4096x128xbf16>
    %slice3A = vector.extract_strided_slice %convert_element_type3A {offsets = [0, 0], sizes = [256, 128], strides = [1, 1]} : vector<256x256xbf16> to vector<256x128xbf16>
    %dot_general3A = arith.constant dense<0.000000e+00> : vector<4096x256xf32>
    %dot_general3A_15 = tpu.matmul %convert_element_type3A_14, %slice3A, %dot_general3A {dimension_numbers = #tpu.dot_dimension_numbers<[1], [1], [0], [0], [0, 0, 1, 0], [], []>, transpose_lhs_hint = false} : vector<4096x128xbf16>, vector<256x128xbf16>, vector<4096x256xf32> -> vector<4096x256xf32>
    %get3A_16 = arith.constant 0 : index
    %get3A_17 = arith.constant 0 : index
    %get3A_18 = vector.load %arg2[%get3A_16, %get3A_17] : memref<4096x128xf32, #tpu.memory_space<vmem>>, vector<4096x128xf32>
    %convert_element_type3A_19 = arith.truncf %get3A_18 : vector<4096x128xf32> to vector<4096x128xbf16>
    %slice3A_20 = vector.extract_strided_slice %convert_element_type3A {offsets = [0, 128], sizes = [256, 128], strides = [1, 1]} : vector<256x256xbf16> to vector<256x128xbf16>
    %dot_general3A_21 = arith.constant dense<0.000000e+00> : vector<4096x256xf32>
    %dot_general3A_22 = tpu.matmul %convert_element_type3A_19, %slice3A_20, %dot_general3A_21 {dimension_numbers = #tpu.dot_dimension_numbers<[1], [1], [0], [0], [0, 0, 1, 0], [], []>, transpose_lhs_hint = false} : vector<4096x128xbf16>, vector<256x128xbf16>, vector<4096x256xf32> -> vector<4096x256xf32>
    %add3A = arith.addf %dot_general3A_15, %dot_general3A_22 : vector<4096x256xf32>
    %slice3A_23 = vector.extract_strided_slice %get3A_4 {offsets = [0, 0], sizes = [1, 256], strides = [1, 1]} : vector<3x256xf32> to vector<1x256xf32>
    %add3A_24 = vector.broadcast %slice3A_23 : vector<1x256xf32> to vector<4096x256xf32>
    %add3A_25 = arith.addf %add3A, %add3A_24 : vector<4096x256xf32>
    %max3A = arith.constant 0.000000e+00 : f32
    %max3A_26 = vector.broadcast %max3A : f32 to vector<4096x256xf32>
    %max3A_27 = arith.maximumf %add3A_25, %max3A_26 : vector<4096x256xf32>
    %slice3A_28 = vector.extract_strided_slice %get3A_4 {offsets = [1, 0], sizes = [1, 256], strides = [1, 1]} : vector<3x256xf32> to vector<1x256xf32>
    %mul3A = vector.broadcast %slice3A_28 : vector<1x256xf32> to vector<4096x256xf32>
    %mul3A_29 = arith.mulf %max3A_27, %mul3A : vector<4096x256xf32>
    %slice3A_30 = vector.extract_strided_slice %get3A_4 {offsets = [2, 0], sizes = [1, 256], strides = [1, 1]} : vector<3x256xf32> to vector<1x256xf32>
    %add3A_31 = vector.broadcast %slice3A_30 : vector<1x256xf32> to vector<4096x256xf32>
    %add3A_32 = arith.addf %mul3A_29, %add3A_31 : vector<4096x256xf32>
    %convert_element_type3A_33 = arith.truncf %add3A_32 : vector<4096x256xf32> to vector<4096x256xbf16>
    %get3A_34 = arith.constant 0 : index
    %get3A_35 = arith.constant 0 : index
    %get3A_36 = vector.load %arg4[%get3A_34, %get3A_35] : memref<128x256xf32, #tpu.memory_space<vmem>>, vector<128x256xf32>
    %convert_element_type3A_37 = arith.truncf %get3A_36 : vector<128x256xf32> to vector<128x256xbf16>
    %dot_general3A_38 = arith.constant dense<0.000000e+00> : vector<4096x128xf32>
    %dot_general3A_39 = tpu.matmul %convert_element_type3A_33, %convert_element_type3A_37, %dot_general3A_38 {dimension_numbers = #tpu.dot_dimension_numbers<[1], [1], [0], [0], [0, 0, 1, 0], [], []>, transpose_lhs_hint = false} : vector<4096x256xbf16>, vector<128x256xbf16>, vector<4096x128xf32> -> vector<4096x128xf32>
    %slice3A_40 = vector.extract_strided_slice %get3A_7 {offsets = [0, 0], sizes = [1, 128], strides = [1, 1]} : vector<3x128xf32> to vector<1x128xf32>
    %add3A_41 = vector.broadcast %slice3A_40 : vector<1x128xf32> to vector<4096x128xf32>
    %add3A_42 = arith.addf %dot_general3A_39, %add3A_41 : vector<4096x128xf32>
    %max3A_43 = arith.constant 0.000000e+00 : f32
    %max3A_44 = vector.broadcast %max3A_43 : f32 to vector<4096x128xf32>
    %max3A_45 = arith.maximumf %add3A_42, %max3A_44 : vector<4096x128xf32>
    %slice3A_46 = vector.extract_strided_slice %get3A_7 {offsets = [1, 0], sizes = [1, 128], strides = [1, 1]} : vector<3x128xf32> to vector<1x128xf32>
    %mul3A_47 = vector.broadcast %slice3A_46 : vector<1x128xf32> to vector<4096x128xf32>
    %mul3A_48 = arith.mulf %max3A_45, %mul3A_47 : vector<4096x128xf32>
    %slice3A_49 = vector.extract_strided_slice %get3A_7 {offsets = [2, 0], sizes = [1, 128], strides = [1, 1]} : vector<3x128xf32> to vector<1x128xf32>
    %add3A_50 = vector.broadcast %slice3A_49 : vector<1x128xf32> to vector<4096x128xf32>
    %add3A_51 = arith.addf %mul3A_48, %add3A_50 : vector<4096x128xf32>
    %convert_element_type3A_52 = arith.truncf %add3A_51 : vector<4096x128xf32> to vector<4096x128xbf16>
    %get3A_53 = arith.constant 0 : index
    %get3A_54 = arith.constant 0 : index
    %get3A_55 = vector.load %arg5[%get3A_53, %get3A_54] : memref<64x128xf32, #tpu.memory_space<vmem>>, vector<64x128xf32>
    %convert_element_type3A_56 = arith.truncf %get3A_55 : vector<64x128xf32> to vector<64x128xbf16>
    %dot_general3A_57 = arith.constant dense<0.000000e+00> : vector<4096x64xf32>
    %dot_general3A_58 = tpu.matmul %convert_element_type3A_52, %convert_element_type3A_56, %dot_general3A_57 {dimension_numbers = #tpu.dot_dimension_numbers<[1], [1], [0], [0], [0, 0, 1, 0], [], []>, transpose_lhs_hint = false} : vector<4096x128xbf16>, vector<64x128xbf16>, vector<4096x64xf32> -> vector<4096x64xf32>
    %slice3A_59 = vector.extract_strided_slice %get3A_10 {offsets = [0, 0], sizes = [1, 64], strides = [1, 1]} : vector<5x64xf32> to vector<1x64xf32>
    %add3A_60 = vector.broadcast %slice3A_59 : vector<1x64xf32> to vector<4096x64xf32>
    %add3A_61 = arith.addf %dot_general3A_58, %add3A_60 : vector<4096x64xf32>
    %max3A_62 = arith.constant 0.000000e+00 : f32
    %max3A_63 = vector.broadcast %max3A_62 : f32 to vector<4096x64xf32>
    %max3A_64 = arith.maximumf %add3A_61, %max3A_63 : vector<4096x64xf32>
    %slice3A_65 = vector.extract_strided_slice %get3A_10 {offsets = [1, 0], sizes = [1, 64], strides = [1, 1]} : vector<5x64xf32> to vector<1x64xf32>
    %mul3A_66 = vector.broadcast %slice3A_65 : vector<1x64xf32> to vector<4096x64xf32>
    %mul3A_67 = arith.mulf %max3A_64, %mul3A_66 : vector<4096x64xf32>
    %slice3A_68 = vector.extract_strided_slice %get3A_10 {offsets = [2, 0], sizes = [1, 64], strides = [1, 1]} : vector<5x64xf32> to vector<1x64xf32>
    %add3A_69 = vector.broadcast %slice3A_68 : vector<1x64xf32> to vector<4096x64xf32>
    %add3A_70 = arith.addf %mul3A_67, %add3A_69 : vector<4096x64xf32>
    %slice3A_71 = vector.extract_strided_slice %get3A_10 {offsets = [3, 0], sizes = [1, 64], strides = [1, 1]} : vector<5x64xf32> to vector<1x64xf32>
    %convert_element_type3A_72 = arith.truncf %slice3A_71 : vector<1x64xf32> to vector<1x64xbf16>
    %convert_element_type3A_73 = arith.truncf %add3A_70 : vector<4096x64xf32> to vector<4096x64xbf16>
    %dot_general3A_74 = arith.constant dense<0.000000e+00> : vector<1x4096xf32>
    %dot_general3A_75 = tpu.matmul %convert_element_type3A_72, %convert_element_type3A_73, %dot_general3A_74 {dimension_numbers = #tpu.dot_dimension_numbers<[1], [1], [0], [0], [0, 0, 1, 0], [], []>, transpose_lhs_hint = false} : vector<1x64xbf16>, vector<4096x64xbf16>, vector<1x4096xf32> -> vector<1x4096xf32>
    %slice3A_76 = vector.extract_strided_slice %get3A_10 {offsets = [4, 0], sizes = [1, 1], strides = [1, 1]} : vector<5x64xf32> to vector<1x1xf32>
    %squeeze3A = vector.extract %slice3A_76[0, 0] : f32 from vector<1x1xf32>
    %add3A_77 = vector.broadcast %squeeze3A : f32 to vector<1x4096xf32>
    %add3A_78 = arith.addf %dot_general3A_75, %add3A_77 : vector<1x4096xf32>
    %neg3A = arith.constant 0.000000e+00 : f32
    %neg3A_79 = vector.broadcast %neg3A : f32 to vector<1x4096xf32>
    %neg3A_80 = arith.subf %neg3A_79, %add3A_78 : vector<1x4096xf32>
    %exp3A = math.exp %neg3A_80 : vector<1x4096xf32>
    %add3A_81 = arith.constant 1.000000e+00 : f32
    %add3A_82 = vector.broadcast %add3A_81 : f32 to vector<1x4096xf32>
    %add3A_83 = arith.addf %add3A_82, %exp3A : vector<1x4096xf32>
    %div3A = arith.constant 1.000000e+00 : f32
    %div3A_84 = vector.broadcast %div3A : f32 to vector<1x4096xf32>
    %div3A_85 = arith.divf %div3A_84, %add3A_83 : vector<1x4096xf32>
    %reshape3A = vector.shape_cast %div3A_85 : vector<1x4096xf32> to vector<1x1x4096xf32>
    %swap3A = arith.constant 0 : index
    %swap3A_86 = arith.constant 0 : index
    %swap3A_87 = arith.constant 0 : index
    %swap3A_88 = vector.load %arg9[%swap3A, %swap3A_86, %swap3A_87] : memref<1x1x4096xf32, #tpu.memory_space<vmem>>, vector<1x1x4096xf32>
    tpu.vector_store %arg9[%swap3A, %swap3A_86, %swap3A_87], %reshape3A {strides = array<i32>} : memref<1x1x4096xf32, #tpu.memory_space<vmem>>, vector<1x1x4096xf32>,
    return
  }
  func.func @transform_0(%arg0: i32) -> (i32, i32) {
    %c0_i32 = arith.constant 0 : i32
    %c0_i32_0 = arith.constant 0 : i32
    return %arg0, %c0_i32 : i32, i32
  }
  func.func @transform_1(%arg0: i32) -> (i32, i32) {
    %c0_i32 = arith.constant 0 : i32
    %c0_i32_0 = arith.constant 0 : i32
    return %arg0, %c0_i32 : i32, i32
  }
  func.func @transform_2(%arg0: i32) -> (i32, i32) {
    %c0_i32 = arith.constant 0 : i32
    %c0_i32_0 = arith.constant 0 : i32
    %c0_i32_1 = arith.constant 0 : i32
    return %c0_i32, %c0_i32_0 : i32, i32
  }
  func.func @transform_3(%arg0: i32) -> (i32, i32) {
    %c0_i32 = arith.constant 0 : i32
    %c0_i32_0 = arith.constant 0 : i32
    %c0_i32_1 = arith.constant 0 : i32
    return %c0_i32, %c0_i32_0 : i32, i32
  }
  func.func @transform_4(%arg0: i32) -> (i32, i32) {
    %c0_i32 = arith.constant 0 : i32
    %c0_i32_0 = arith.constant 0 : i32
    %c0_i32_1 = arith.constant 0 : i32
    return %c0_i32, %c0_i32_0 : i32, i32
  }
  func.func @transform_5(%arg0: i32) -> (i32, i32) {
    %c0_i32 = arith.constant 0 : i32
    %c0_i32_0 = arith.constant 0 : i32
    %c0_i32_1 = arith.constant 0 : i32
    return %c0_i32, %c0_i32_0 : i32, i32
  }
  func.func @transform_6(%arg0: i32) -> (i32, i32) {
    %c0_i32 = arith.constant 0 : i32
    %c0_i32_0 = arith.constant 0 : i32
    %c0_i32_1 = arith.constant 0 : i32
    return %c0_i32, %c0_i32_0 : i32, i32
  }
  func.func @transform_7(%arg0: i32) -> (i32, i32) {
    %c0_i32 = arith.constant 0 : i32
    %c0_i32_0 = arith.constant 0 : i32
    %c0_i32_1 = arith.constant 0 : i32
    return %c0_i32, %c0_i32_0 : i32, i32
  }
  func.func @transform_8(%arg0: i32) -> (i32, i32, i32) {
    %c0_i32 = arith.constant 0 : i32
    %c0_i32_0 = arith.constant 0 : i32
    %c0_i32_1 = arith.constant 0 : i32
    return %arg0, %c0_i32, %c0_i32_0 : i32, i32, i32
  }
}

</mosaic_0001>

<sc_bundles>
// kernel: kernel.6.cloned.1.call-start
scs
__scs_entry_jumppad:
0x0: {  	(pc) =	sbr.rel $0x88, $3  }
0x1: {  	(tag) =	ssettag $0x0;
	lr =	simm.s32 $0x1  }
0x2: {  	[smem:$0x3F89] =	sst lr;
	_ =	strace $0xD0000000  }
0x3: {  	_ = 	snop  }
0x4: {  	_ = 	snop  }
0x5: {  	_ = 	snop  }
0x6: {  	_ = 	snop  }
0x7: {  	_ = 	snop  }
__scs_overlays_trampoline_lowered:
0x8: {  	[smem:$0x3F98] =	sst s0  }
0x9: {  	[smem:$0x3F99] =	sst s1  }
0xa: {  	[smem:$0x3F9A] =	sst s2  }
0xb: {  	[smem:$0x3F9B] =	sst s3  }
0xc: {  	[smem:$0x3F9C] =	sst s4  }
0xd: {  	[smem:$0x3F9D] =	sst s5  }
0xe: {  	[smem:$0x3F9E] =	sst s6  }
0xf: {  	[smem:$0x3F9F] =	sst s7  }
0x10: {  	[smem:$0x3FA0] =	sst s8  }
0x11: {  	[smem:$0x3FA1] =	sst s9;
	s0 =	simm.s32 @!p0 $0x0  }
0x12: {  	s1 =	sld [smem:$0x3F87];
	s0 =	simm.s32 @p0 $0x1  }
0x13: {  	[smem:$0x3FA2] =	sst s0;
	s0 =	simm.s32 @!p1 $0x0  }
0x14: {  	s2 =	sld [smem:$0x3F86];
	s0 =	simm.s32 @p1 $0x1  }
0x15: {  	[smem:$0x3FA3] =	sst s0;
	s0 =	simm.s32 @!p2 $0x0  }
0x16: {  	s3 =	sld [smem:$0x3FDB];
	s0 =	simm.s32 @p2 $0x1  }
0x17: {  	s4 =	simm.s32 $0x1BF5;
	[smem:$0x3FA5] =	sst s0  }
0x18: {  	s0 =	sld [smem:$0x3F88];
	_ =	swait.ge [sflag:s4], $0x0  }
0x19: {  	s7 =	sld [smem:$0x3F89]  }
0x1a: {  	s8 =	sadd.s32 $0xFFFFE003, lr  }
0x1b: {  	s9 =	sadd.s32 $0xFFFFFEF7, lr;
	s5 =	simm.s32 $0xFFFFFFFF;
	p2 =	slt.u32 s8, $0xFFFFF086  }
0x1c: {  	p1 =	slt.u32 s9, $0xF7A;
	s5 =	simm.s32 @!p2 $0x0  }
0x1d: {  	s5 =	simm.s32 @p1 $0x1;
	p0 =	seq.s32 s7, s2  }
0x1e: {  	s7 =	smul.u32 @!p0 $0xF7A, s2;
	p2 =	seq.s32 @!p0 s5, $0x0  }
0x1f: {  	s9 =	smul.u32 $0xF7A, s1;
	s8 =	simm.s32 @!p0 $0x1BF5;
	p2 =	por !p2, p0  }
0x20: {  	[sflag:s8] =	ssyncset.s32 @!p0 $0xFFFFF086;
	s6 =	sadd.s32 @!p0 s3, s7;
	s7 =	simm.s32 @!p0 $0x108  }
0x21: {  	s3 =	sadd.s32 s3, s9;
	s6 =	sadd.s32 @!p0 $0x88, s6;
	s7 =	simm.s32 @p2 $0x1082  }
0x22: {  	[simem:s7], [sflag:s8] =	dma.local @!p0 [hbm:s6], $0xF7A  }
0x23: {  	s9 =	sor.u32 $0xD0000000, s2;
	s6 =	simm.s32 $0x108;
	_ =	swait.ge @!p0 [sflag:s8], $0x0  }
0x24: {  	s3 =	sadd.s32 $0x88, s3;
	s6 =	simm.s32 @!p1 $0x1082;
	[sflag:s4] =	ssyncset.s32 $0xFFFFF086  }
0x25: {  	[simem:s6], [sflag:s4] =	dma.local [hbm:s3], $0xF7A  }
0x26: {  	[smem:$0x3F89] =	sst s1;
	(tag) =	ssettag s2;
	_ =	strace s9  }
0x27: {  	s1 =	sld [smem:$0x3F99]  }
0x28: {  	s2 =	sld [smem:$0x3F9A]  }
0x29: {  	s4 =	sld [smem:$0x3F9C]  }
0x2a: {  	p0 =	seq.s32 s5, $0x0;
	s5 =	sld [smem:$0x3F9D]  }
0x2b: {  	s6 =	sld [smem:$0x3F9E]  }
0x2c: {  	s7 =	sld [smem:$0x3F9F]  }
0x2d: {  	s3 =	simm.s32 $0x108;
	s8 =	sld [smem:$0x3FA0]  }
0x2e: {  	s3 =	simm.s32 @!p0 $0x1082;
	s9 =	sld [smem:$0x3FA1]  }
0x2f: {  	lr =	sadd.s32 s0, s3;
	s0 =	sld [smem:$0x3F98]  }
0x30: {  	s3 =	sld [smem:$0x3F9B]  }
0x31: {  	[smem:$0x3FA4] =	sst s10  }
0x32: {  	s10 =	sld [smem:$0x3FA2];
	_ =	sdelay $0x3  }
0x33: {  	p0 =	seq.s32 s10, $0x1;
	s10 =	sld [smem:$0x3FA4];
	_ =	sdelay $0x3  }
0x34: {  	[smem:$0x3FA4] =	sst s10  }
0x35: {  	s10 =	sld [smem:$0x3FA3];
	_ =	sdelay $0x3  }
0x36: {  	p1 =	seq.s32 s10, $0x1;
	s10 =	sld [smem:$0x3FA4];
	_ =	sdelay $0x3  }
0x37: {  	[smem:$0x3FA4] =	sst s10  }
0x38: {  	s10 =	sld [smem:$0x3FA5]  }
0x39: {  	_ = 	snop;
	(pc) =	sbr.ind lr, $3  }
0x3a: {  	_ = 	snop  }
0x3b: {  	_ = 	snop  }
0x3c: {  	p2 =	seq.s32 s10, $0x1;
	s10 =	sld [smem:$0x3FA4]  }
0x3d: {  	_ =	shalt  }
0x3e: {  	_ =	shalt  }
0x3f: {  	_ =	shalt  }
0x40: {  	_ =	shalt  }
0x41: {  	_ =	shalt  }
0x42: {  	_ =	shalt  }
0x43: {  	_ =	shalt  }
0x44: {  	_ =	shalt  }
0x45: {  	_ =	shalt  }
0x46: {  	_ =	shalt  }
0x47: {  	_ =	shalt  }
0x48: {  	_ =	shalt  }
0x49: {  	_ =	shalt  }
0x4a: {  	_ =	shalt  }
0x4b: {  	_ =	shalt  }
0x4c: {  	_ =	shalt  }
0x4d: {  	_ =	shalt  }
0x4e: {  	_ =	shalt  }
0x4f: {  	_ =	shalt  }
0x50: {  	_ =	shalt  }
0x51: {  	_ =	shalt  }
0x52: {  	_ =	shalt  }
0x53: {  	_ =	shalt  }
0x54: {  	_ =	shalt  }
0x55: {  	_ =	shalt  }
0x56: {  	_ =	shalt  }
0x57: {  	_ =	shalt  }
0x58: {  	_ =	shalt  }
0x59: {  	_ =	shalt  }
0x5a: {  	_ =	shalt  }
0x5b: {  	_ =	shalt  }
0x5c: {  	_ =	shalt  }
0x5d: {  	_ =	shalt  }
0x5e: {  	_ =	shalt  }
0x5f: {  	_ =	shalt  }
0x60: {  	_ =	shalt  }
0x61: {  	_ =	shalt  }
0x62: {  	_ =	shalt  }
0x63: {  	_ =	shalt  }
0x64: {  	_ =	shalt  }
0x65: {  	_ =	shalt  }
0x66: {  	_ =	shalt  }
0x67: {  	_ =	shalt  }
0x68: {  	_ =	shalt  }
0x69: {  	_ =	shalt  }
0x6a: {  	_ =	shalt  }
0x6b: {  	_ =	shalt  }
0x6c: {  	_ =	shalt  }
0x6d: {  	_ =	shalt  }
0x6e: {  	_ =	shalt  }
0x6f: {  	_ =	shalt  }
0x70: {  	_ =	shalt  }
0x71: {  	_ =	shalt  }
0x72: {  	_ =	shalt  }
0x73: {  	_ =	shalt  }
0x74: {  	_ =	shalt  }
0x75: {  	_ =	shalt  }
0x76: {  	_ =	shalt  }
0x77: {  	_ =	shalt  }
0x78: {  	_ =	shalt  }
0x79: {  	_ =	shalt  }
0x7a: {  	_ =	shalt  }
0x7b: {  	_ =	shalt  }
0x7c: {  	_ =	shalt  }
0x7d: {  	_ =	shalt  }
0x7e: {  	_ =	shalt  }
0x7f: {  	_ =	shalt  }
0x80: {  	_ =	shalt  }
0x81: {  	_ =	shalt  }
0x82: {  	_ =	shalt  }
0x83: {  	_ =	shalt  }
0x84: {  	_ =	shalt  }
0x85: {  	_ =	shalt  }
0x86: {  	_ =	shalt  }
0x87: {  	_ =	shalt  }
.Lfunc_end0:
.L_simem_size_0:
called_computation_lowered:
.L_overlay_start_0:
0x88: {  	s2 =	sld [smem:$0x3FD9]  }
0x89: {  	s3 =	sld [smem:$0x3FFE];
	_ =	sdelay $0x1  }
0x8a: {  	s1 =	srdreg.scid  }
0x8b: {  	s0 =	sand.u32 $0x1, s1  }
0x8c: {  	s17 =	sshll.u32 s0, $0xA;
	s2 =	sadd.s32 s3, s2  }
0x8d: {  	s2 =	sadd.s32 s2, s17  }
0x8e: {  	[smem:$0x3FB0] =	sst s2  }
0x8f: {  	_ = 	snop  }
0x90: {  	s18 =	sld [smem:$0x3FC9]  }
0x91: {  	s4 =	sld [smem:$0x3FC8]  }
0x92: {  	s5 =	sld [smem:$0x3FC7]  }
0x93: {  	s6 =	sld [smem:$0x3FC6];
	(tm) =	ssettm $0x1  }
0x94: {  	s19 =	sld [smem:$0x3FFB];
	_ =	sdelay $0x3  }
0x95: {  	_ =	strace s19  }
0x96: {  	s2 =	sld [smem:$0x3FFC];
	_ =	sdelay $0x3  }
0x97: {  	_ =	strace s2  }
0x98: {  	s2 =	sld [smem:$0x3FFD];
	_ =	sdelay $0x3  }
0x99: {  	_ =	strace s2  }
0x9a: {  	_ =	strace $0x8FFFFFFF  }
0x9b: {  	s20 =	sld [smem:$0x3FDB];
	_ =	sdelay $0x1  }
0x9c: {  	s7 =	simm.s32 $_scs_section_size  }
0x9d: {  	s8 =	simm.s32 $_size__tile_overlayer_lowered;
	s9 =	simm.s32 $_tile_overlayer_lowered  }
0x9e: {  	s10 =	simm.s32 $0x1BFF;
	s21 =	sshll.u32 s9, $0x1;
	s7 =	sadd.s32 s7, s20  }
0x9f: {  	s22 =	simm.s32 $0x0;
	s8 =	sshll.u32 s8, $0x1;
	s9 =	sadd.s32 s21, s7  }
0xa0: {  	[timem:s22], [sflag:s10] =	dma.local [hbm:s9], s8  }
0xa1: {  	_ =	swait.ge [sflag:s10], s8  }
0xa2: {  	s8 =	ssub.s32 $0x0, s8;
	[sflag:s10] =	ssyncset.done $0x0  }
0xa3: {  	[sflag:s10] =	ssyncadd.s32 s8;
	_ =	sdelay $0x1  }
0xa4: {  	s23 =	simm.s32 $0x1B8B  }
0xa5: {  	_ =	swait.ge [sflag:s23], $0x1  }
0xa6: {  	[sflag:s23] =	ssyncset.done $0x0  }
0xa7: {  	[sflag:s23] =	ssyncadd.s32 $0xFFFFFFFF  }
0xa8: {  	s8 =	sld [smem:$0x0]  }
0xa9: {  	s9 =	sand.u32 $0xFFFFFFFE, s1  }
0xaa: {  	p0 =	sne.s32 s1, s9  }
0xab: {  	s9 =	sshll.u32 @p0 s9, $0xE  }
0xac: {  	s9 =	sadd.s32 @p0 $0x11B8D, s9;
	s10 =	sshll.u32 @p0 s8, $0x11  }
0xad: {  	s9 =	sor.u32 @p0 s10, s9  }
0xae: {  	[sflag:s9] =	ssyncadd.remote.s32 @p0 $0x1;
	_ =	sdelay $0x1  }
0xaf: {  	s9 =	simm.s32 @p0 $0x1B8D  }
0xb0: {  	_ =	swait.eq @p0 [sflag:s9], $0x1  }
0xb1: {  	[sflag:s9] =	ssyncadd.s32 @p0 $0xFFFFFFFF  }
0xb2: {  	s10 =	sshll.u32 @!p0 s1, $0xE  }
0xb3: {  	s10 =	sor.u32 @!p0 $0x4000, s10;
	s9 =	simm.s32 @!p0 $0x1B8D  }
0xb4: {  	s8 =	sshll.u32 @!p0 s8, $0x11;
	s10 =	sadd.s32 @!p0 $0x11B8D, s10;
	_ =	swait.eq @!p0 [sflag:s9], $0x1  }
0xb5: {  	s8 =	sor.u32 @!p0 s8, s10;
	[sflag:s9] =	ssyncadd.s32 @!p0 $0xFFFFFFFF  }
0xb6: {  	s25 =	simm.s32 $0x1B8E;
	s24 =	sld [smem:$0x3FFE];
	[sflag:s8] =	ssyncadd.remote.s32 @!p0 $0x1  }
0xb7: {  	s26 =	simm.s32 $execute0_lowered;
	[smem:$0x3FD2] =	sst s25  }
0xb8: {  	s9 =	sshll.u32 s26, $0x1;
	_ =	strace $0x80000049;
	[dreg:$0x1] =	wrdreg $0xFFFFFFFF  }
0xb9: {  	s28 =	simm.s32 $_size_execute0_lowered;
	s7 =	sadd.s32 s7, s9;
	[dreg:$0x0] =	wrdreg $0x0  }
0xba: {  	s9 =	sshll.u32 s28, $0x1;
	[dreg:$0x2] =	wrdreg s7  }
0xbb: {  	[dreg:$0x3] =	wrdreg s9  }
0xbc: {  	[dreg:$0x4] =	wrdreg $0xC0  }
0xbd: {  	_ =	task [dreg:s22], $0x5FFFF  }
0xbe: {  	[dreg:$0x1] =	wrdreg $0xFFFFFFFF  }
0xbf: {  	[dreg:$0x0] =	wrdreg $0x60  }
0xc0: {  	[dreg:$0x2] =	wrdreg s18  }
0xc1: {  	[dreg:$0x3] =	wrdreg s4  }
0xc2: {  	[dreg:$0x4] =	wrdreg s5  }
0xc3: {  	[dreg:$0x5] =	wrdreg s6  }
0xc4: {  	[dreg:$0x6] =	wrdreg s24  }
0xc5: {  	[dreg:$0x7] =	wrdreg $0x9  }
0xc6: {  	_ =	task.clear_ibuf [dreg:s22], $0x8FFFF;
	_ =	strace $0x90000049  }
0xc7: {  	s29 =	simm.s32 $0x9;
	_ =	strace $0x8000004B  }
0xc8: {  	_ =	swait.ge [sflag:s29], $0x1  }
0xc9: {  	[sflag:s29] =	ssyncadd.s32 $0xFFFFFFFF  }
0xca: {  	_ =	strace $0x9000004B  }
0xcb: {  	_ =	sfence  }
0xcc: {  	s30 =	sld [smem:$0x0];
	_ =	sdelay $0x2  }
0xcd: {  	s31 =	sshll.u32 s1, $0xD;
	s1 =	sshrl.u32 s1, $0x2  }
0xce: {  	s4 =	sand.u32 $0x4000, s31;
	s1 =	sadd.s32 s1, s30  }
0xcf: {  	s0 =	sor.u32 s4, s0;
	s1 =	sshll.u32 s1, $0x11  }
0xd0: {  	s0 =	sor.u32 s1, s0  }
0xd1: {  	s0 =	sadd.s32 $0x8F2B, s0  }
0xd2: {  	[sflag:s0] =	ssyncadd.remote.s32 $0x1  }
0xd3: {  	_ =	sfence.sel $0xFFFF  }
0xd4: {  	[dreg:$0x0] =	wrdreg $0xFFFFFFFF;
	(pc) =	sbr.abs _section_cstart, $3  }
0xd5: {  	[dreg:$0x1] =	wrdreg $0xFFFFFFFF  }
0xd6: {  	_ =	task.clear_ibuf [dreg:s22], $0x2FFFF;
	_ =	strace $0x9FFFFFFF  }
0xd7: {  	(tm) =	ssettm $0x7FFFFFFF  }
tec
execute0_lowered:
.L_overlay_start_1:
0x0: {  	(tag) =	ssettag $0x1  }
0x1: {  	s7 =	rddreg [dreg:$0x0]  }
0x2: {  	s16 =	rddreg [dreg:$0x1]  }
0x3: {  	s1 =	rddreg [dreg:$0x2];
	s2 =	srdreg.scid  }
0x4: {  	s3 =	rddreg [dreg:$0x3];
	s0 =	stileid.u32;
	s18 =	sand.u32 $0x1, s2  }
0x5: {  	s17 =	rddreg [dreg:$0x4];
	s5 =	sshll.u32 s0, $0x9;
	s6 =	sshll.u32 s18, $0x8  }
0x6: {  	s4 =	simm.s32 $0x0;
	s2 =	rddreg [dreg:$0x5];
	s12 =	sor.u32 s6, s5  }
0x7: {  	[smem:$0x7FF] =	sst s4;
	s15 =	sshrl.u32 s12, $0x3  }
0x8: {  	_ =	strace $0x8000004A;
	s5 =	simm.s32 $0x3;
	s6 =	sadd.s32 s7, s15  }
0x9: {  	[tilespmem:s4], [sflag:$0x3] =	stream.linear.gather [hbm4b:s6+s4], $0x80, $0x38;
	[tilespmem:$0x8100] =	vst v63  }
0xa: {  	s14 =	sor.u32 $0x80, s12;
	_ =	swait.ge [sflag:s5], $0x80  }
0xb: {  	s19 =	sshrl.u32 s14, $0x3;
	[sflag:s5] =	ssyncset.done $0x0  }
0xc: {  	s8 =	simm.s32 $0x80;
	s7 =	sadd.s32 s7, s19;
	[sflag:s5] =	ssyncadd.s32 $0xFFFFFF80  }
0xd: {  	[tilespmem:s8], [sflag:$0x3] =	stream.linear.gather [hbm4b:s7+s4], $0x80, $0x38;
	[tilespmem:$0x8100] =	vst v63  }
0xe: {  	_ =	swait.ge [sflag:s5], $0x80  }
0xf: {  	[sflag:s5] =	ssyncset.done $0x0  }
0x10: {  	s9 =	simm.s32 $0x100;
	[sflag:s5] =	ssyncadd.s32 $0xFFFFFF80  }
0x11: {  	[tilespmem:s9], [sflag:$0x1] =	stream.indirect.gather [hbm4b:s1+s8], $0x80, s4, s8, $0xb8;
	[tilespmem:$0x8100] =	vst v63  }
0x12: {  	s10 =	simm.s32 $0x4100;
	s11 =	simm.s32 $0x1  }
0x13: {  	[tilespmem:s10], [sflag:$0x2] =	stream.indirect.gather [hbm4b:s1+s8], $0x80, s8, s8, $0xb8;
	[tilespmem:$0x8100] =	vst v63  }
0x14: {  	_ =	swait.ge [sflag:s11], $0x4000  }
0x15: {  	s20 =	sadd.s32 $0x44400, s17;
	s21 =	sshll.u32 s12, $0x4;
	[sflag:s11] =	ssyncset.done $0x0  }
0x16: {  	s12 =	sadd.s32 s20, s21;
	[sflag:s11] =	ssyncadd.s32 $0xFFFFC000  }
0x17: {  	[hbm4b:s12+s4] =	stream.linear.scatter [tilespmem:s9], [sflag:$0x3], $0x4000, $0x38;
	[tilespmem:$0x8100] =	vst v63  }
0x18: {  	_ =	swait.ge [sflag:s5], $0x4000  }
0x19: {  	[sflag:s5] =	ssyncset.done $0x0  }
0x1a: {  	s13 =	simm.s32 $0x2;
	[sflag:s5] =	ssyncadd.s32 $0xFFFFC000  }
0x1b: {  	_ =	swait.ge [sflag:s13], $0x4000  }
0x1c: {  	s22 =	sshll.u32 s14, $0x4;
	[sflag:s13] =	ssyncset.done $0x0  }
0x1d: {  	s14 =	sadd.s32 s20, s22;
	[sflag:s13] =	ssyncadd.s32 $0xFFFFC000  }
0x1e: {  	[hbm4b:s14+s4] =	stream.linear.scatter [tilespmem:s10], [sflag:$0x3], $0x4000, $0x38;
	[tilespmem:$0x8100] =	vst v63  }
0x1f: {  	_ =	swait.ge [sflag:s5], $0x4000  }
0x20: {  	[sflag:s5] =	ssyncset.done $0x0  }
0x21: {  	s15 =	sadd.s32 s16, s15;
	[sflag:s5] =	ssyncadd.s32 $0xFFFFC000  }
0x22: {  	[tilespmem:s4], [sflag:$0x3] =	stream.linear.gather [hbm4b:s15+s4], $0x80, $0x38;
	[tilespmem:$0x8100] =	vst v63  }
0x23: {  	_ =	swait.ge [sflag:s5], $0x80  }
0x24: {  	[sflag:s5] =	ssyncset.done $0x0  }
0x25: {  	s16 =	sadd.s32 s16, s19;
	[sflag:s5] =	ssyncadd.s32 $0xFFFFFF80  }
0x26: {  	[tilespmem:s8], [sflag:$0x3] =	stream.linear.gather [hbm4b:s16+s4], $0x80, $0x38;
	[tilespmem:$0x8100] =	vst v63  }
0x27: {  	_ =	swait.ge [sflag:s5], $0x80  }
0x28: {  	[sflag:s5] =	ssyncset.done $0x0  }
0x29: {  	[sflag:s5] =	ssyncadd.s32 $0xFFFFFF80  }
0x2a: {  	[tilespmem:s9], [sflag:$0x1] =	stream.indirect.gather [hbm4b:s3+s8], $0x80, s4, s8, $0xb8;
	[tilespmem:$0x8100] =	vst v63  }
0x2b: {  	_ = 	snop  }
0x2c: {  	[tilespmem:s10], [sflag:$0x2] =	stream.indirect.gather [hbm4b:s3+s8], $0x80, s8, s8, $0xb8;
	[tilespmem:$0x8100] =	vst v63  }
0x2d: {  	_ =	swait.ge [sflag:s11], $0x4000  }
0x2e: {  	s29 =	sadd.s32 $0x64400, s17;
	[sflag:s11] =	ssyncset.done $0x0  }
0x2f: {  	s18 =	ssub.s32 $0x2, s18;
	s17 =	sadd.s32 s29, s21;
	[sflag:s11] =	ssyncadd.s32 $0xFFFFC000  }
0x30: {  	[hbm4b:s17+s4] =	stream.linear.scatter [tilespmem:s9], [sflag:$0x3], $0x4000, $0x38;
	[tilespmem:$0x8100] =	vst v63  }
0x31: {  	s30 =	sshrl.u32 s18, $0x1;
	_ =	swait.ge [sflag:s5], $0x4000  }
0x32: {  	s20 =	ssub.s32 s18, s30;
	[sflag:s5] =	ssyncset.done $0x0  }
0x33: {  	s31 =	smax.u32 s20, $0x1;
	[sflag:s5] =	ssyncadd.s32 $0xFFFFC000  }
0x34: {  	p0 =	sne.s32 s31, $0x1;
	_ =	swait.ge [sflag:s13], $0x4000  }
.Ltmp0:
0x35: {  	[sflag:s13] =	ssyncset.done $0x0;
	(pc) =	sbr.rel @!p0 .LBB2_2-.Ltmp0, $4  }
0x36: {  	s18 =	sadd.s32 s29, s22;
	[sflag:s13] =	ssyncadd.s32 $0xFFFFC000  }
0x37: {  	[hbm4b:s18+s4] =	stream.linear.scatter [tilespmem:s10], [sflag:$0x3], $0x4000, $0x38;
	[tilespmem:$0x8100] =	vst v63  }
0x38: {  	_ =	swait.ge [sflag:s5], $0x4000  }
0x39: {  	s19 =	sadd.s32 $0xFFFFFFFF, s31;
	[sflag:s5] =	ssyncset.done $0x0  }
.LBB2_1:
0x3a: {  	p0 =	sne.s32 s19, $0x1;
	s19 =	sadd.s32 $0xFFFFFFFF, s19;
	[sflag:s5] =	ssyncadd.s32 $0xFFFFC000  }
0x3b: {  	[tilespmem:s4], [sflag:$0x3] =	stream.linear.gather [hbm4b:s6+s4], $0x80, $0x38;
	[tilespmem:$0x8100] =	vst v63  }
0x3c: {  	_ =	swait.ge [sflag:s5], $0x80  }
0x3d: {  	[sflag:s5] =	ssyncset.done $0x0  }
0x3e: {  	[sflag:s5] =	ssyncadd.s32 $0xFFFFFF80  }
0x3f: {  	[tilespmem:s8], [sflag:$0x3] =	stream.linear.gather [hbm4b:s7+s4], $0x80, $0x38;
	[tilespmem:$0x8100] =	vst v63  }
0x40: {  	_ =	swait.ge [sflag:s5], $0x80  }
0x41: {  	[sflag:s5] =	ssyncset.done $0x0  }
0x42: {  	[sflag:s5] =	ssyncadd.s32 $0xFFFFFF80  }
0x43: {  	[tilespmem:s9], [sflag:$0x1] =	stream.indirect.gather [hbm4b:s1+s8], $0x80, s4, s8, $0xb8;
	[tilespmem:$0x8100] =	vst v63  }
0x44: {  	_ = 	snop  }
0x45: {  	[tilespmem:s10], [sflag:$0x2] =	stream.indirect.gather [hbm4b:s1+s8], $0x80, s8, s8, $0xb8;
	[tilespmem:$0x8100] =	vst v63  }
0x46: {  	_ =	swait.ge [sflag:s11], $0x4000  }
0x47: {  	[sflag:s11] =	ssyncset.done $0x0  }
0x48: {  	[sflag:s11] =	ssyncadd.s32 $0xFFFFC000  }
0x49: {  	[hbm4b:s12+s4] =	stream.linear.scatter [tilespmem:s9], [sflag:$0x3], $0x4000, $0x38;
	[tilespmem:$0x8100] =	vst v63  }
0x4a: {  	_ =	swait.ge [sflag:s5], $0x4000  }
0x4b: {  	[sflag:s5] =	ssyncset.done $0x0  }
0x4c: {  	[sflag:s5] =	ssyncadd.s32 $0xFFFFC000  }
0x4d: {  	_ =	swait.ge [sflag:s13], $0x4000  }
0x4e: {  	[sflag:s13] =	ssyncset.done $0x0  }
0x4f: {  	[sflag:s13] =	ssyncadd.s32 $0xFFFFC000  }
0x50: {  	[hbm4b:s14+s4] =	stream.linear.scatter [tilespmem:s10], [sflag:$0x3], $0x4000, $0x38;
	[tilespmem:$0x8100] =	vst v63  }
0x51: {  	_ =	swait.ge [sflag:s5], $0x4000  }
0x52: {  	[sflag:s5] =	ssyncset.done $0x0  }
0x53: {  	[sflag:s5] =	ssyncadd.s32 $0xFFFFC000  }
0x54: {  	[tilespmem:s4], [sflag:$0x3] =	stream.linear.gather [hbm4b:s15+s4], $0x80, $0x38;
	[tilespmem:$0x8100] =	vst v63  }
0x55: {  	_ =	swait.ge [sflag:s5], $0x80  }
0x56: {  	[sflag:s5] =	ssyncset.done $0x0  }
0x57: {  	[sflag:s5] =	ssyncadd.s32 $0xFFFFFF80  }
0x58: {  	[tilespmem:s8], [sflag:$0x3] =	stream.linear.gather [hbm4b:s16+s4], $0x80, $0x38;
	[tilespmem:$0x8100] =	vst v63  }
0x59: {  	_ =	swait.ge [sflag:s5], $0x80  }
0x5a: {  	[sflag:s5] =	ssyncset.done $0x0  }
0x5b: {  	[sflag:s5] =	ssyncadd.s32 $0xFFFFFF80  }
0x5c: {  	[tilespmem:s9], [sflag:$0x1] =	stream.indirect.gather [hbm4b:s3+s8], $0x80, s4, s8, $0xb8;
	[tilespmem:$0x8100] =	vst v63  }
0x5d: {  	_ = 	snop  }
0x5e: {  	[tilespmem:s10], [sflag:$0x2] =	stream.indirect.gather [hbm4b:s3+s8], $0x80, s8, s8, $0xb8;
	[tilespmem:$0x8100] =	vst v63  }
0x5f: {  	_ =	swait.ge [sflag:s11], $0x4000  }
0x60: {  	[sflag:s11] =	ssyncset.done $0x0  }
0x61: {  	[sflag:s11] =	ssyncadd.s32 $0xFFFFC000  }
0x62: {  	[hbm4b:s17+s4] =	stream.linear.scatter [tilespmem:s9], [sflag:$0x3], $0x4000, $0x38;
	[tilespmem:$0x8100] =	vst v63  }
0x63: {  	_ =	swait.ge [sflag:s5], $0x4000  }
0x64: {  	[sflag:s5] =	ssyncset.done $0x0  }
0x65: {  	[sflag:s5] =	ssyncadd.s32 $0xFFFFC000  }
0x66: {  	_ =	swait.ge [sflag:s13], $0x4000  }
.Ltmp1:
0x67: {  	[sflag:s13] =	ssyncset.done $0x0;
	(pc) =	sbr.rel @p0 .LBB2_1-.Ltmp1, $4  }
0x68: {  	[sflag:s13] =	ssyncadd.s32 $0xFFFFC000  }
0x69: {  	[hbm4b:s18+s4] =	stream.linear.scatter [tilespmem:s10], [sflag:$0x3], $0x4000, $0x38;
	[tilespmem:$0x8100] =	vst v63  }
0x6a: {  	_ =	swait.ge [sflag:s5], $0x4000  }
0x6b: {  	[sflag:s5] =	ssyncset.done $0x0  }
.LBB2_2:
0x6c: {  	[sflag:s5] =	ssyncadd.s32 $0xFFFFC000  }
0x6d: {  	_ =	sfence.sel $0x180000  }
0x6e: {  	[bflag:$0x0] =	sbarrier.arrive $0xFFFF  }
0x6f: {  	p0 =	sne.s32 s0, $0x0;
	_ =	strace $0x9000004A  }
0x70: {  	s0 =	sadd.s32 @!p0 $0x100000, s2;
	[bflag:$0x2] =	sbarrier.arrive $0xFFFF  }
0x71: {  	[sflag:s0] =	ssyncadd.tile.s32 @!p0 $0x1;
	_ =	shalt  }
.Lfunc_end2:
_tile_overlayer_lowered:
.L_overlay_start_2:
0x72: {  	(tag) =	ssettag $0x2  }
0x73: {  	s0 =	rddreg [dreg:$0x0];
	s2 =	stileid.u32  }
0x74: {  	s1 =	rddreg [dreg:$0x1];
	p0 =	sne.s32 s2, $0x0  }
0x75: {  	s3 =	rddreg [dreg:$0x2];
	[bflag:$0x3] =	sbarrier.arrive $0xFFFF;
	s2 =	simm.s32 @!p0 $0x1C03  }
0x76: {  	[timem:s3], [sflag:s2] =	dma.local @!p0 [hbm:s0], s1  }
0x77: {  	s0 =	simm.s32 @!p0 $0x3  }
0x78: {  	_ =	swait.ge @!p0 [sflag:s0], s1  }
0x79: {  	s1 =	ssub.s32 @!p0 $0x0, s1;
	[sflag:s0] =	ssyncset.done @!p0 $0x0  }
0x7a: {  	[sflag:s0] =	ssyncadd.s32 @!p0 s1  }
0x7b: {  	[bflag:$0x3] =	sbarrier.arrive $0xFFFF  }
0x7c: {  	_ =	shalt  }

// kernel: kernel.9.cloned.1.call-start
scs
__scs_entry_jumppad:
0x0: {  	(pc) =	sbr.rel $0x88, $3  }
0x1: {  	(tag) =	ssettag $0x0;
	lr =	simm.s32 $0x1  }
0x2: {  	[smem:$0x3F89] =	sst lr;
	_ =	strace $0xD0000000  }
0x3: {  	_ = 	snop  }
0x4: {  	_ = 	snop  }
0x5: {  	_ = 	snop  }
0x6: {  	_ = 	snop  }
0x7: {  	_ = 	snop  }
__scs_overlays_trampoline_lowered:
0x8: {  	[smem:$0x3F98] =	sst s0  }
0x9: {  	[smem:$0x3F99] =	sst s1  }
0xa: {  	[smem:$0x3F9A] =	sst s2  }
0xb: {  	[smem:$0x3F9B] =	sst s3  }
0xc: {  	[smem:$0x3F9C] =	sst s4  }
0xd: {  	[smem:$0x3F9D] =	sst s5  }
0xe: {  	[smem:$0x3F9E] =	sst s6  }
0xf: {  	[smem:$0x3F9F] =	sst s7  }
0x10: {  	[smem:$0x3FA0] =	sst s8  }
0x11: {  	[smem:$0x3FA1] =	sst s9;
	s0 =	simm.s32 @!p0 $0x0  }
0x12: {  	s1 =	sld [smem:$0x3F87];
	s0 =	simm.s32 @p0 $0x1  }
0x13: {  	[smem:$0x3FA2] =	sst s0;
	s0 =	simm.s32 @!p1 $0x0  }
0x14: {  	s2 =	sld [smem:$0x3F86];
	s0 =	simm.s32 @p1 $0x1  }
0x15: {  	[smem:$0x3FA3] =	sst s0;
	s0 =	simm.s32 @!p2 $0x0  }
0x16: {  	s3 =	sld [smem:$0x3FDB];
	s0 =	simm.s32 @p2 $0x1  }
0x17: {  	s4 =	simm.s32 $0x1BF5;
	[smem:$0x3FA5] =	sst s0  }
0x18: {  	s0 =	sld [smem:$0x3F88];
	_ =	swait.ge [sflag:s4], $0x0  }
0x19: {  	s7 =	sld [smem:$0x3F89]  }
0x1a: {  	s8 =	sadd.s32 $0xFFFFE003, lr  }
0x1b: {  	s9 =	sadd.s32 $0xFFFFFEF7, lr;
	s5 =	simm.s32 $0xFFFFFFFF;
	p2 =	slt.u32 s8, $0xFFFFF086  }
0x1c: {  	p1 =	slt.u32 s9, $0xF7A;
	s5 =	simm.s32 @!p2 $0x0  }
0x1d: {  	s5 =	simm.s32 @p1 $0x1;
	p0 =	seq.s32 s7, s2  }
0x1e: {  	s7 =	smul.u32 @!p0 $0xF7A, s2;
	p2 =	seq.s32 @!p0 s5, $0x0  }
0x1f: {  	s9 =	smul.u32 $0xF7A, s1;
	s8 =	simm.s32 @!p0 $0x1BF5;
	p2 =	por !p2, p0  }
0x20: {  	[sflag:s8] =	ssyncset.s32 @!p0 $0xFFFFF086;
	s6 =	sadd.s32 @!p0 s3, s7;
	s7 =	simm.s32 @!p0 $0x108  }
0x21: {  	s3 =	sadd.s32 s3, s9;
	s6 =	sadd.s32 @!p0 $0x88, s6;
	s7 =	simm.s32 @p2 $0x1082  }
0x22: {  	[simem:s7], [sflag:s8] =	dma.local @!p0 [hbm:s6], $0xF7A  }
0x23: {  	s9 =	sor.u32 $0xD0000000, s2;
	s6 =	simm.s32 $0x108;
	_ =	swait.ge @!p0 [sflag:s8], $0x0  }
0x24: {  	s3 =	sadd.s32 $0x88, s3;
	s6 =	simm.s32 @!p1 $0x1082;
	[sflag:s4] =	ssyncset.s32 $0xFFFFF086  }
0x25: {  	[simem:s6], [sflag:s4] =	dma.local [hbm:s3], $0xF7A  }
0x26: {  	[smem:$0x3F89] =	sst s1;
	(tag) =	ssettag s2;
	_ =	strace s9  }
0x27: {  	s1 =	sld [smem:$0x3F99]  }
0x28: {  	s2 =	sld [smem:$0x3F9A]  }
0x29: {  	s4 =	sld [smem:$0x3F9C]  }
0x2a: {  	p0 =	seq.s32 s5, $0x0;
	s5 =	sld [smem:$0x3F9D]  }
0x2b: {  	s6 =	sld [smem:$0x3F9E]  }
0x2c: {  	s7 =	sld [smem:$0x3F9F]  }
0x2d: {  	s3 =	simm.s32 $0x108;
	s8 =	sld [smem:$0x3FA0]  }
0x2e: {  	s3 =	simm.s32 @!p0 $0x1082;
	s9 =	sld [smem:$0x3FA1]  }
0x2f: {  	lr =	sadd.s32 s0, s3;
	s0 =	sld [smem:$0x3F98]  }
0x30: {  	s3 =	sld [smem:$0x3F9B]  }
0x31: {  	[smem:$0x3FA4] =	sst s10  }
0x32: {  	s10 =	sld [smem:$0x3FA2];
	_ =	sdelay $0x3  }
0x33: {  	p0 =	seq.s32 s10, $0x1;
	s10 =	sld [smem:$0x3FA4];
	_ =	sdelay $0x3  }
0x34: {  	[smem:$0x3FA4] =	sst s10  }
0x35: {  	s10 =	sld [smem:$0x3FA3];
	_ =	sdelay $0x3  }
0x36: {  	p1 =	seq.s32 s10, $0x1;
	s10 =	sld [smem:$0x3FA4];
	_ =	sdelay $0x3  }
0x37: {  	[smem:$0x3FA4] =	sst s10  }
0x38: {  	s10 =	sld [smem:$0x3FA5]  }
0x39: {  	_ = 	snop;
	(pc) =	sbr.ind lr, $3  }
0x3a: {  	_ = 	snop  }
0x3b: {  	_ = 	snop  }
0x3c: {  	p2 =	seq.s32 s10, $0x1;
	s10 =	sld [smem:$0x3FA4]  }
0x3d: {  	_ =	shalt  }
0x3e: {  	_ =	shalt  }
0x3f: {  	_ =	shalt  }
0x40: {  	_ =	shalt  }
0x41: {  	_ =	shalt  }
0x42: {  	_ =	shalt  }
0x43: {  	_ =	shalt  }
0x44: {  	_ =	shalt  }
0x45: {  	_ =	shalt  }
0x46: {  	_ =	shalt  }
0x47: {  	_ =	shalt  }
0x48: {  	_ =	shalt  }
0x49: {  	_ =	shalt  }
0x4a: {  	_ =	shalt  }
0x4b: {  	_ =	shalt  }
0x4c: {  	_ =	shalt  }
0x4d: {  	_ =	shalt  }
0x4e: {  	_ =	shalt  }
0x4f: {  	_ =	shalt  }
0x50: {  	_ =	shalt  }
0x51: {  	_ =	shalt  }
0x52: {  	_ =	shalt  }
0x53: {  	_ =	shalt  }
0x54: {  	_ =	shalt  }
0x55: {  	_ =	shalt  }
0x56: {  	_ =	shalt  }
0x57: {  	_ =	shalt  }
0x58: {  	_ =	shalt  }
0x59: {  	_ =	shalt  }
0x5a: {  	_ =	shalt  }
0x5b: {  	_ =	shalt  }
0x5c: {  	_ =	shalt  }
0x5d: {  	_ =	shalt  }
0x5e: {  	_ =	shalt  }
0x5f: {  	_ =	shalt  }
0x60: {  	_ =	shalt  }
0x61: {  	_ =	shalt  }
0x62: {  	_ =	shalt  }
0x63: {  	_ =	shalt  }
0x64: {  	_ =	shalt  }
0x65: {  	_ =	shalt  }
0x66: {  	_ =	shalt  }
0x67: {  	_ =	shalt  }
0x68: {  	_ =	shalt  }
0x69: {  	_ =	shalt  }
0x6a: {  	_ =	shalt  }
0x6b: {  	_ =	shalt  }
0x6c: {  	_ =	shalt  }
0x6d: {  	_ =	shalt  }
0x6e: {  	_ =	shalt  }
0x6f: {  	_ =	shalt  }
0x70: {  	_ =	shalt  }
0x71: {  	_ =	shalt  }
0x72: {  	_ =	shalt  }
0x73: {  	_ =	shalt  }
0x74: {  	_ =	shalt  }
0x75: {  	_ =	shalt  }
0x76: {  	_ =	shalt  }
0x77: {  	_ =	shalt  }
0x78: {  	_ =	shalt  }
0x79: {  	_ =	shalt  }
0x7a: {  	_ =	shalt  }
0x7b: {  	_ =	shalt  }
0x7c: {  	_ =	shalt  }
0x7d: {  	_ =	shalt  }
0x7e: {  	_ =	shalt  }
0x7f: {  	_ =	shalt  }
0x80: {  	_ =	shalt  }
0x81: {  	_ =	shalt  }
0x82: {  	_ =	shalt  }
0x83: {  	_ =	shalt  }
0x84: {  	_ =	shalt  }
0x85: {  	_ =	shalt  }
0x86: {  	_ =	shalt  }
0x87: {  	_ =	shalt  }
.Lfunc_end0:
.L_simem_size_0:
called_computation.1_lowered:
.L_overlay_start_0:
0x88: {  	s2 =	sld [smem:$0x3FD9]  }
0x89: {  	s3 =	sld [smem:$0x3FFE];
	_ =	sdelay $0x1  }
0x8a: {  	s1 =	srdreg.scid  }
0x8b: {  	s0 =	sand.u32 $0x1, s1  }
0x8c: {  	s17 =	sshll.u32 s0, $0xA;
	s2 =	sadd.s32 s3, s2  }
0x8d: {  	s2 =	sadd.s32 s2, s17  }
0x8e: {  	[smem:$0x3FB0] =	sst s2  }
0x8f: {  	_ = 	snop  }
0x90: {  	s2 =	sld [smem:$0x3FC9]  }
0x91: {  	s18 =	sld [smem:$0x3FC8]  }
0x92: {  	s4 =	sld [smem:$0x3FC7]  }
0x93: {  	s5 =	sld [smem:$0x3FC6];
	(tm) =	ssettm $0x1  }
0x94: {  	s6 =	sld [smem:$0x3FFB];
	_ =	sdelay $0x3  }
0x95: {  	_ =	strace s6  }
0x96: {  	s6 =	sld [smem:$0x3FFC];
	_ =	sdelay $0x3  }
0x97: {  	_ =	strace s6  }
0x98: {  	s6 =	sld [smem:$0x3FFD];
	_ =	sdelay $0x3  }
0x99: {  	_ =	strace s6  }
0x9a: {  	_ =	strace $0x8FFFFFFF  }
0x9b: {  	s19 =	sld [smem:$0x3FDB];
	_ =	sdelay $0x1  }
0x9c: {  	s7 =	simm.s32 $_scs_section_size  }
0x9d: {  	s8 =	simm.s32 $_size__tile_overlayer_lowered;
	s9 =	simm.s32 $_tile_overlayer_lowered  }
0x9e: {  	s22 =	simm.s32 $0x1BFF;
	s21 =	sshll.u32 s9, $0x1;
	s6 =	sadd.s32 s7, s19  }
0x9f: {  	s10 =	simm.s32 $0x0;
	s20 =	sshll.u32 s8, $0x1;
	s8 =	sadd.s32 s21, s6  }
0xa0: {  	[timem:s10], [sflag:s22] =	dma.local [hbm:s8], s20  }
0xa1: {  	_ =	swait.ge [sflag:s22], s20  }
0xa2: {  	s7 =	ssub.s32 $0x0, s20;
	[sflag:s22] =	ssyncset.done $0x0  }
0xa3: {  	[sflag:s22] =	ssyncadd.s32 s7;
	_ =	sdelay $0x1  }
0xa4: {  	s23 =	simm.s32 $0x1B8B  }
0xa5: {  	_ =	swait.ge [sflag:s23], $0x1  }
0xa6: {  	[sflag:s23] =	ssyncset.done $0x0  }
0xa7: {  	s25 =	simm.s32 $0x1B8E;
	s24 =	sld [smem:$0x3FFE];
	[sflag:s23] =	ssyncadd.s32 $0xFFFFFFFF  }
0xa8: {  	s26 =	simm.s32 $execute0_lowered;
	[smem:$0x3FD2] =	sst s25  }
0xa9: {  	s8 =	sshll.u32 s26, $0x1;
	_ =	strace $0x80000046;
	[dreg:$0x1] =	wrdreg $0xFFFFFFFF  }
0xaa: {  	s28 =	simm.s32 $_size_execute0_lowered;
	s6 =	sadd.s32 s6, s8;
	[dreg:$0x0] =	wrdreg $0x0  }
0xab: {  	s8 =	sshll.u32 s28, $0x1;
	[dreg:$0x2] =	wrdreg s6  }
0xac: {  	[dreg:$0x3] =	wrdreg s8  }
0xad: {  	[dreg:$0x4] =	wrdreg $0xC0  }
0xae: {  	_ =	task [dreg:s10], $0x5FFFF  }
0xaf: {  	[dreg:$0x1] =	wrdreg $0xFFFFFFFF  }
0xb0: {  	[dreg:$0x0] =	wrdreg $0x60  }
0xb1: {  	[dreg:$0x2] =	wrdreg s2  }
0xb2: {  	[dreg:$0x3] =	wrdreg s18  }
0xb3: {  	[dreg:$0x4] =	wrdreg s4  }
0xb4: {  	[dreg:$0x5] =	wrdreg s5  }
0xb5: {  	[dreg:$0x6] =	wrdreg s24  }
0xb6: {  	[dreg:$0x7] =	wrdreg $0xA  }
0xb7: {  	_ =	task.clear_ibuf [dreg:s10], $0x8FFFF;
	_ =	strace $0x90000046  }
0xb8: {  	s29 =	simm.s32 $0xA;
	_ =	strace $0x80000048  }
0xb9: {  	_ =	swait.ge [sflag:s29], $0x1  }
0xba: {  	[sflag:s29] =	ssyncadd.s32 $0xFFFFFFFF  }
0xbb: {  	_ =	strace $0x90000048  }
0xbc: {  	_ =	sfence  }
0xbd: {  	s30 =	sld [smem:$0x0];
	_ =	sdelay $0x2  }
0xbe: {  	s31 =	sshll.u32 s1, $0xD;
	s1 =	sshrl.u32 s1, $0x2  }
0xbf: {  	s3 =	sand.u32 $0x4000, s31;
	s1 =	sadd.s32 s1, s30  }
0xc0: {  	s0 =	sor.u32 s3, s0;
	s1 =	sshll.u32 s1, $0x11  }
0xc1: {  	s0 =	sor.u32 s1, s0  }
0xc2: {  	s0 =	sadd.s32 $0x8F2B, s0  }
0xc3: {  	[sflag:s0] =	ssyncadd.remote.s32 $0x1  }
0xc4: {  	_ =	sfence.sel $0xFFFF  }
0xc5: {  	[dreg:$0x0] =	wrdreg $0xFFFFFFFF;
	(pc) =	sbr.abs _section_cstart, $3  }
0xc6: {  	[dreg:$0x1] =	wrdreg $0xFFFFFFFF  }
0xc7: {  	_ =	task.clear_ibuf [dreg:s10], $0x2FFFF;
	_ =	strace $0x9FFFFFFF  }
0xc8: {  	(tm) =	ssettm $0x7FFFFFFF  }
0xc9: {  	_ =	shalt  }
tec
execute0_lowered:
.L_overlay_start_1:
0x0: {  	(tag) =	ssettag $0x1  }
0x1: {  	s7 =	rddreg [dreg:$0x0];
	s2 =	srdreg.scid  }
0x2: {  	s16 =	rddreg [dreg:$0x1];
	s0 =	stileid.u32;
	s18 =	sand.u32 $0x1, s2  }
0x3: {  	s1 =	rddreg [dreg:$0x2];
	s28 =	sshll.u32 s0, $0x9;
	s4 =	sshll.u32 s18, $0x8  }
0x4: {  	s3 =	rddreg [dreg:$0x3];
	s12 =	sor.u32 s4, s28  }
0x5: {  	s17 =	rddreg [dreg:$0x4];
	s4 =	simm.s32 $0x0;
	s8 =	sshrl.u32 s12, $0x3  }
0x6: {  	s5 =	simm.s32 $0x3;
	[smem:$0x7FF] =	sst s4;
	s15 =	sor.u32 $0x400, s8  }
0x7: {  	s2 =	rddreg [dreg:$0x5];
	_ =	strace $0x80000047;
	s6 =	sadd.s32 s7, s15  }
0x8: {  	[tilespmem:s4], [sflag:$0x3] =	stream.linear.gather [hbm4b:s6+s4], $0x80, $0x38;
	[tilespmem:$0x8100] =	vst v63  }
0x9: {  	_ =	swait.ge [sflag:s5], $0x80  }
0xa: {  	s19 =	sor.u32 $0x410, s8;
	[sflag:s5] =	ssyncset.done $0x0  }
0xb: {  	s8 =	simm.s32 $0x80;
	s7 =	sadd.s32 s7, s19;
	[sflag:s5] =	ssyncadd.s32 $0xFFFFFF80  }
0xc: {  	[tilespmem:s8], [sflag:$0x3] =	stream.linear.gather [hbm4b:s7+s4], $0x80, $0x38;
	[tilespmem:$0x8100] =	vst v63  }
0xd: {  	_ =	swait.ge [sflag:s5], $0x80  }
0xe: {  	[sflag:s5] =	ssyncset.done $0x0  }
0xf: {  	s9 =	simm.s32 $0x100;
	[sflag:s5] =	ssyncadd.s32 $0xFFFFFF80  }
0x10: {  	[tilespmem:s9], [sflag:$0x1] =	stream.indirect.gather [hbm4b:s1+s8], $0x80, s4, s8, $0xb8;
	[tilespmem:$0x8100] =	vst v63  }
0x11: {  	s10 =	simm.s32 $0x4100;
	s11 =	simm.s32 $0x1  }
0x12: {  	[tilespmem:s10], [sflag:$0x2] =	stream.indirect.gather [hbm4b:s1+s8], $0x80, s8, s8, $0xb8;
	[tilespmem:$0x8100] =	vst v63  }
0x13: {  	_ =	swait.ge [sflag:s11], $0x4000  }
0x14: {  	s14 =	sadd.s32 $0x4400, s17;
	s20 =	sshll.u32 s12, $0x4;
	[sflag:s11] =	ssyncset.done $0x0  }
0x15: {  	s12 =	sadd.s32 s14, s20;
	[sflag:s11] =	ssyncadd.s32 $0xFFFFC000  }
0x16: {  	[hbm4b:s12+s4] =	stream.linear.scatter [tilespmem:s9], [sflag:$0x3], $0x4000, $0x38;
	[tilespmem:$0x8100] =	vst v63  }
0x17: {  	_ =	swait.ge [sflag:s5], $0x4000  }
0x18: {  	[sflag:s5] =	ssyncset.done $0x0  }
0x19: {  	s13 =	simm.s32 $0x2;
	[sflag:s5] =	ssyncadd.s32 $0xFFFFC000  }
0x1a: {  	_ =	swait.ge [sflag:s13], $0x4000  }
0x1b: {  	s21 =	sor.u32 $0x800, s20;
	[sflag:s13] =	ssyncset.done $0x0  }
0x1c: {  	s14 =	sadd.s32 s14, s21;
	[sflag:s13] =	ssyncadd.s32 $0xFFFFC000  }
0x1d: {  	[hbm4b:s14+s4] =	stream.linear.scatter [tilespmem:s10], [sflag:$0x3], $0x4000, $0x38;
	[tilespmem:$0x8100] =	vst v63  }
0x1e: {  	_ =	swait.ge [sflag:s5], $0x4000  }
0x1f: {  	[sflag:s5] =	ssyncset.done $0x0  }
0x20: {  	s15 =	sadd.s32 s16, s15;
	[sflag:s5] =	ssyncadd.s32 $0xFFFFC000  }
0x21: {  	[tilespmem:s4], [sflag:$0x3] =	stream.linear.gather [hbm4b:s15+s4], $0x80, $0x38;
	[tilespmem:$0x8100] =	vst v63  }
0x22: {  	_ =	swait.ge [sflag:s5], $0x80  }
0x23: {  	[sflag:s5] =	ssyncset.done $0x0  }
0x24: {  	s16 =	sadd.s32 s16, s19;
	[sflag:s5] =	ssyncadd.s32 $0xFFFFFF80  }
0x25: {  	[tilespmem:s8], [sflag:$0x3] =	stream.linear.gather [hbm4b:s16+s4], $0x80, $0x38;
	[tilespmem:$0x8100] =	vst v63  }
0x26: {  	_ =	swait.ge [sflag:s5], $0x80  }
0x27: {  	[sflag:s5] =	ssyncset.done $0x0  }
0x28: {  	[sflag:s5] =	ssyncadd.s32 $0xFFFFFF80  }
0x29: {  	[tilespmem:s9], [sflag:$0x1] =	stream.indirect.gather [hbm4b:s3+s8], $0x80, s4, s8, $0xb8;
	[tilespmem:$0x8100] =	vst v63  }
0x2a: {  	_ = 	snop  }
0x2b: {  	[tilespmem:s10], [sflag:$0x2] =	stream.indirect.gather [hbm4b:s3+s8], $0x80, s8, s8, $0xb8;
	[tilespmem:$0x8100] =	vst v63  }
0x2c: {  	_ =	swait.ge [sflag:s11], $0x4000  }
0x2d: {  	s29 =	sadd.s32 $0x24400, s17;
	[sflag:s11] =	ssyncset.done $0x0  }
0x2e: {  	s18 =	ssub.s32 $0x2, s18;
	s17 =	sadd.s32 s29, s20;
	[sflag:s11] =	ssyncadd.s32 $0xFFFFC000  }
0x2f: {  	[hbm4b:s17+s4] =	stream.linear.scatter [tilespmem:s9], [sflag:$0x3], $0x4000, $0x38;
	[tilespmem:$0x8100] =	vst v63  }
0x30: {  	s30 =	sshrl.u32 s18, $0x1;
	_ =	swait.ge [sflag:s5], $0x4000  }
0x31: {  	s20 =	ssub.s32 s18, s30;
	[sflag:s5] =	ssyncset.done $0x0  }
0x32: {  	s31 =	smax.u32 s20, $0x1;
	[sflag:s5] =	ssyncadd.s32 $0xFFFFC000  }
0x33: {  	p0 =	sne.s32 s31, $0x1;
	_ =	swait.ge [sflag:s13], $0x4000  }
.Ltmp0:
0x34: {  	[sflag:s13] =	ssyncset.done $0x0;
	(pc) =	sbr.rel @!p0 .LBB2_2-.Ltmp0, $4  }
0x35: {  	s18 =	sadd.s32 s29, s21;
	[sflag:s13] =	ssyncadd.s32 $0xFFFFC000  }
0x36: {  	[hbm4b:s18+s4] =	stream.linear.scatter [tilespmem:s10], [sflag:$0x3], $0x4000, $0x38;
	[tilespmem:$0x8100] =	vst v63  }
0x37: {  	_ =	swait.ge [sflag:s5], $0x4000  }
0x38: {  	s19 =	sadd.s32 $0xFFFFFFFF, s31;
	[sflag:s5] =	ssyncset.done $0x0  }
.LBB2_1:
0x39: {  	p0 =	sne.s32 s19, $0x1;
	s19 =	sadd.s32 $0xFFFFFFFF, s19;
	[sflag:s5] =	ssyncadd.s32 $0xFFFFC000  }
0x3a: {  	[tilespmem:s4], [sflag:$0x3] =	stream.linear.gather [hbm4b:s6+s4], $0x80, $0x38;
	[tilespmem:$0x8100] =	vst v63  }
0x3b: {  	_ =	swait.ge [sflag:s5], $0x80  }
0x3c: {  	[sflag:s5] =	ssyncset.done $0x0  }
0x3d: {  	[sflag:s5] =	ssyncadd.s32 $0xFFFFFF80  }
0x3e: {  	[tilespmem:s8], [sflag:$0x3] =	stream.linear.gather [hbm4b:s7+s4], $0x80, $0x38;
	[tilespmem:$0x8100] =	vst v63  }
0x3f: {  	_ =	swait.ge [sflag:s5], $0x80  }
0x40: {  	[sflag:s5] =	ssyncset.done $0x0  }
0x41: {  	[sflag:s5] =	ssyncadd.s32 $0xFFFFFF80  }
0x42: {  	[tilespmem:s9], [sflag:$0x1] =	stream.indirect.gather [hbm4b:s1+s8], $0x80, s4, s8, $0xb8;
	[tilespmem:$0x8100] =	vst v63  }
0x43: {  	_ = 	snop  }
0x44: {  	[tilespmem:s10], [sflag:$0x2] =	stream.indirect.gather [hbm4b:s1+s8], $0x80, s8, s8, $0xb8;
	[tilespmem:$0x8100] =	vst v63  }
0x45: {  	_ =	swait.ge [sflag:s11], $0x4000  }
0x46: {  	[sflag:s11] =	ssyncset.done $0x0  }
0x47: {  	[sflag:s11] =	ssyncadd.s32 $0xFFFFC000  }
0x48: {  	[hbm4b:s12+s4] =	stream.linear.scatter [tilespmem:s9], [sflag:$0x3], $0x4000, $0x38;
	[tilespmem:$0x8100] =	vst v63  }
0x49: {  	_ =	swait.ge [sflag:s5], $0x4000  }
0x4a: {  	[sflag:s5] =	ssyncset.done $0x0  }
0x4b: {  	[sflag:s5] =	ssyncadd.s32 $0xFFFFC000  }
0x4c: {  	_ =	swait.ge [sflag:s13], $0x4000  }
0x4d: {  	[sflag:s13] =	ssyncset.done $0x0  }
0x4e: {  	[sflag:s13] =	ssyncadd.s32 $0xFFFFC000  }
0x4f: {  	[hbm4b:s14+s4] =	stream.linear.scatter [tilespmem:s10], [sflag:$0x3], $0x4000, $0x38;
	[tilespmem:$0x8100] =	vst v63  }
0x50: {  	_ =	swait.ge [sflag:s5], $0x4000  }
0x51: {  	[sflag:s5] =	ssyncset.done $0x0  }
0x52: {  	[sflag:s5] =	ssyncadd.s32 $0xFFFFC000  }
0x53: {  	[tilespmem:s4], [sflag:$0x3] =	stream.linear.gather [hbm4b:s15+s4], $0x80, $0x38;
	[tilespmem:$0x8100] =	vst v63  }
0x54: {  	_ =	swait.ge [sflag:s5], $0x80  }
0x55: {  	[sflag:s5] =	ssyncset.done $0x0  }
0x56: {  	[sflag:s5] =	ssyncadd.s32 $0xFFFFFF80  }
0x57: {  	[tilespmem:s8], [sflag:$0x3] =	stream.linear.gather [hbm4b:s16+s4], $0x80, $0x38;
	[tilespmem:$0x8100] =	vst v63  }
0x58: {  	_ =	swait.ge [sflag:s5], $0x80  }
0x59: {  	[sflag:s5] =	ssyncset.done $0x0  }
0x5a: {  	[sflag:s5] =	ssyncadd.s32 $0xFFFFFF80  }
0x5b: {  	[tilespmem:s9], [sflag:$0x1] =	stream.indirect.gather [hbm4b:s3+s8], $0x80, s4, s8, $0xb8;
	[tilespmem:$0x8100] =	vst v63  }
0x5c: {  	_ = 	snop  }
0x5d: {  	[tilespmem:s10], [sflag:$0x2] =	stream.indirect.gather [hbm4b:s3+s8], $0x80, s8, s8, $0xb8;
	[tilespmem:$0x8100] =	vst v63  }
0x5e: {  	_ =	swait.ge [sflag:s11], $0x4000  }
0x5f: {  	[sflag:s11] =	ssyncset.done $0x0  }
0x60: {  	[sflag:s11] =	ssyncadd.s32 $0xFFFFC000  }
0x61: {  	[hbm4b:s17+s4] =	stream.linear.scatter [tilespmem:s9], [sflag:$0x3], $0x4000, $0x38;
	[tilespmem:$0x8100] =	vst v63  }
0x62: {  	_ =	swait.ge [sflag:s5], $0x4000  }
0x63: {  	[sflag:s5] =	ssyncset.done $0x0  }
0x64: {  	[sflag:s5] =	ssyncadd.s32 $0xFFFFC000  }
0x65: {  	_ =	swait.ge [sflag:s13], $0x4000  }
.Ltmp1:
0x66: {  	[sflag:s13] =	ssyncset.done $0x0;
	(pc) =	sbr.rel @p0 .LBB2_1-.Ltmp1, $4  }
0x67: {  	[sflag:s13] =	ssyncadd.s32 $0xFFFFC000  }
0x68: {  	[hbm4b:s18+s4] =	stream.linear.scatter [tilespmem:s10], [sflag:$0x3], $0x4000, $0x38;
	[tilespmem:$0x8100] =	vst v63  }
0x69: {  	_ =	swait.ge [sflag:s5], $0x4000  }
0x6a: {  	[sflag:s5] =	ssyncset.done $0x0  }
.LBB2_2:
0x6b: {  	[sflag:s5] =	ssyncadd.s32 $0xFFFFC000  }
0x6c: {  	_ =	sfence.sel $0x180000  }
0x6d: {  	[bflag:$0x0] =	sbarrier.arrive $0xFFFF  }
0x6e: {  	p0 =	sne.s32 s0, $0x0;
	_ =	strace $0x90000047  }
0x6f: {  	s0 =	sadd.s32 @!p0 $0x100000, s2;
	[bflag:$0x2] =	sbarrier.arrive $0xFFFF  }
0x70: {  	[sflag:s0] =	ssyncadd.tile.s32 @!p0 $0x1;
	_ =	shalt  }
.Lfunc_end2:
_tile_overlayer_lowered:
.L_overlay_start_2:
0x71: {  	(tag) =	ssettag $0x2  }
0x72: {  	s0 =	rddreg [dreg:$0x0];
	s2 =	stileid.u32  }
0x73: {  	s1 =	rddreg [dreg:$0x1];
	p0 =	sne.s32 s2, $0x0  }
0x74: {  	s3 =	rddreg [dreg:$0x2];
	[bflag:$0x3] =	sbarrier.arrive $0xFFFF;
	s2 =	simm.s32 @!p0 $0x1C03  }
0x75: {  	[timem:s3], [sflag:s2] =	dma.local @!p0 [hbm:s0], s1  }
0x76: {  	s0 =	simm.s32 @!p0 $0x3  }
0x77: {  	_ =	swait.ge @!p0 [sflag:s0], s1  }
0x78: {  	s1 =	ssub.s32 @!p0 $0x0, s1;
	[sflag:s0] =	ssyncset.done @!p0 $0x0  }
0x79: {  	[sflag:s0] =	ssyncadd.s32 @!p0 s1  }
0x7a: {  	[bflag:$0x3] =	sbarrier.arrive $0xFFFF  }
0x7b: {  	_ =	shalt  }

</sc_bundles>
